<compile_context>
chip_gen: v7x
topology: tpu7x:2x2x1
jax: 0.10.2.dev20260603
libtpu: 0.0.44.dev20260713+nightly
codegen_flags: <defaults>
</compile_context>

<pallas_src>
import functools

import jax
import jax.numpy as jnp
from jax import lax
from jax.experimental import pallas as pl
from jax.experimental.pallas import tpu as pltpu
from jax.experimental.pallas import tpu_sc as plsc

N = 50000
E = 800000
B = 64
F = 8
H = 64
HEADS = 4
DH = 16
K = 3
NC = 2

NP = 51200
HW = 32
CH = 80
BLK = 2000
NBUF = 5
EPT = E // 16
NBLK = EPT // BLK
NCHB = BLK // CH
ROWS_PT = NP // 16


def _sc_hop_body(h2, src, dst2d, out, acc, zbuf, idxb, dstb, rows, *gsems):
    c = lax.axis_index("c")
    s = lax.axis_index("s")

    def _z(i, _):
        zbuf[i, pl.ds(0, 16)] = jnp.zeros((16,), jnp.float32)
        zbuf[i, pl.ds(16, 16)] = jnp.zeros((16,), jnp.float32)
        return 0
    lax.fori_loop(0, 128, _z, 0)

    def _zcp(i, _):
        pltpu.sync_copy(zbuf, acc.at[pl.ds(s * ROWS_PT + i * 128, 128)])
        return 0
    lax.fori_loop(0, ROWS_PT // 128, _zcp, 0)
    plsc.subcore_barrier()

    ebase = s * EPT
    coff = c * NP

    def _gather(ch_in_blk, b):
        pltpu.async_copy(
            h2.at[idxb.at[pl.ds(ch_in_blk * CH, CH)]], rows.at[b], gsems[b])

    def _block(blk, _):
        pltpu.sync_copy(src.at[pl.ds(ebase + blk * BLK, BLK)], idxb)
        pltpu.sync_copy(dst2d.at[pl.ds(s * (EPT // CH) + blk * NCHB, NCHB)], dstb)

        def _off(i, _):
            idxb[pl.ds(i * 16, 16)] = idxb[pl.ds(i * 16, 16)] + coff
            return 0
        lax.fori_loop(0, BLK // 16, _off, 0)

        for b in range(NBUF):
            _gather(b, b)

        def _grp(g, _):
            k0 = g * NBUF
            for b in range(NBUF):
                ch = k0 + b
                pltpu.make_async_copy(
                    h2.at[pl.ds(0, CH)], rows.at[b], gsems[b]).wait()
                pltpu.sync_copy(rows.at[b], acc.at[dstb.at[ch]], add=True)
                _gather(ch + NBUF, b)
            return 0
        lax.fori_loop(0, (NCHB - NBUF) // NBUF, _grp, 0)

        for b in range(NBUF):
            ch = NCHB - NBUF + b
            pltpu.make_async_copy(
                h2.at[pl.ds(0, CH)], rows.at[b], gsems[b]).wait()
            pltpu.sync_copy(rows.at[b], acc.at[dstb.at[ch]], add=True)
        return 0

    lax.fori_loop(0, NBLK, _block, 0)

    plsc.subcore_barrier()
    pltpu.sync_copy(acc.at[pl.ds(s * ROWS_PT, ROWS_PT)],
                    out.at[pl.ds(coff + s * ROWS_PT, ROWS_PT)])


@jax.jit
def _sc_hop(h2, src, dst2d):
    mesh = plsc.VectorSubcoreMesh(core_axis_name="c", subcore_axis_name="s")
    f = pl.kernel(
        _sc_hop_body,
        out_type=jax.ShapeDtypeStruct((2 * NP, HW), jnp.float32),
        mesh=mesh,
        scratch_types=[
            pltpu.VMEM_SHARED((NP, HW), jnp.float32),
            pltpu.VMEM((128, HW), jnp.float32),
            pltpu.VMEM((BLK,), jnp.int32),
            pltpu.VMEM((NCHB, CH), jnp.int32),
            pltpu.VMEM((NBUF, CH, HW), jnp.float32),
        ] + [pltpu.SemaphoreType.DMA] * NBUF,
        compiler_params=pltpu.CompilerParams(use_tc_tiling_on_sc=False),
    )
    return f(h2, src, dst2d)


E2 = 819200
EPAD = E2 - E
A1_BLK = 5120
A1_EPT = E2 // 32


def _sc_att_body(asd, src, dst, ef, tab, srcb, dstb, isb, asb, adb, eb0, eb1, eb2, eb3):
    c = lax.axis_index("c")
    s = lax.axis_index("s")
    t = s * 2 + c
    pltpu.sync_copy(asd.at[pl.ds(s * 25000, 25000)], tab.at[pl.ds(s * 25000, 25000)])
    plsc.subcore_barrier()
    ebase = t * A1_EPT
    ebs = [eb0, eb1, eb2, eb3]

    def _blk(blk, _):
        b0 = ebase + blk * A1_BLK
        pltpu.sync_copy(src.at[pl.ds(b0, A1_BLK)], srcb)
        pltpu.sync_copy(dst.at[pl.ds(b0, A1_BLK)], dstb)

        def _chunk(off, w):
            nw = w // 16
            for h in range(4):
                def _i1(i, _):
                    isb[pl.ds(i * 16, 16)] = srcb[pl.ds(off + i * 16, 16)] + h * N
                    return 0
                lax.fori_loop(0, nw, _i1, 0)
                pltpu.sync_copy(tab.at[isb.at[pl.ds(0, w)]], asb.at[pl.ds(0, w)])

                def _i2(i, _):
                    isb[pl.ds(i * 16, 16)] = dstb[pl.ds(off + i * 16, 16)] + (4 + h) * N
                    return 0
                lax.fori_loop(0, nw, _i2, 0)
                pltpu.sync_copy(tab.at[isb.at[pl.ds(0, w)]], adb.at[pl.ds(0, w)])

                def _e(i, _):
                    a = asb[pl.ds(i * 16, 16)] + adb[pl.ds(i * 16, 16)]
                    a = jnp.maximum(a, a * 0.2)
                    ebs[h][pl.ds(off + i * 16, 16)] = jnp.exp(a)
                    return 0
                lax.fori_loop(0, nw, _e, 0)

        def _ch(k, _):
            _chunk(k * 128, 128)
            return 0
        lax.fori_loop(0, A1_BLK // 128, _ch, 0)

        for h in range(4):
            pltpu.sync_copy(ebs[h], ef.at[pl.ds(h * E2 + b0, A1_BLK)])
        return 0
    lax.fori_loop(0, A1_EPT // A1_BLK, _blk, 0)


def _sc_att(asd, src, dst):
    mesh = plsc.VectorSubcoreMesh(core_axis_name="c", subcore_axis_name="s")
    f = pl.kernel(
        _sc_att_body,
        out_type=jax.ShapeDtypeStruct((4 * E2,), jnp.float32),
        mesh=mesh,
        scratch_types=[
            pltpu.VMEM_SHARED((8 * N,), jnp.float32),
            pltpu.VMEM((A1_BLK,), jnp.int32),
            pltpu.VMEM((A1_BLK,), jnp.int32),
            pltpu.VMEM((128,), jnp.int32),
            pltpu.VMEM((128,), jnp.float32),
            pltpu.VMEM((128,), jnp.float32),
            pltpu.VMEM((A1_BLK,), jnp.float32),
            pltpu.VMEM((A1_BLK,), jnp.float32),
            pltpu.VMEM((A1_BLK,), jnp.float32),
            pltpu.VMEM((A1_BLK,), jnp.float32),
        ],
        compiler_params=pltpu.CompilerParams(use_tc_tiling_on_sc=False),
    )
    return f(asd, src, dst)


A2_ACC = 256000
A2_EPT = E2 // 32
A2_BLK = 5120


def _sc_den_body(ef, dst, out, acc, zbuf, dstb, eb0, eb1, eb2, eb3, ones, idxb):
    c = lax.axis_index("c")
    s = lax.axis_index("s")

    def _z(i, _):
        zbuf[pl.ds(i * 16, 16)] = jnp.zeros((16,), jnp.float32)
        return 0
    lax.fori_loop(0, 128, _z, 0)

    def _o(i, _):
        ones[pl.ds(i * 16, 16)] = jnp.ones((16,), jnp.float32)
        return 0
    lax.fori_loop(0, 8, _o, 0)

    def _zcp(i, _):
        pltpu.sync_copy(zbuf, acc.at[pl.ds(s * 16000 + i * 2048, 2048)])
        return 0
    lax.fori_loop(0, 7, _zcp, 0)
    def _zcp2(i, _):
        pltpu.sync_copy(zbuf.at[pl.ds(0, 1664)], acc.at[pl.ds(s * 16000 + 14336 + i * 1664, 1664)])
        return 0
    lax.fori_loop(0, 1, _zcp2, 0)
    plsc.subcore_barrier()

    ebase = (c * 16 + s) * A2_EPT
    ebs = [eb0, eb1, eb2, eb3]

    def _blk(blk, _):
        b0 = ebase + blk * A2_BLK
        pltpu.sync_copy(dst.at[pl.ds(b0, A2_BLK)], dstb)
        for j in range(4):
            pltpu.sync_copy(ef.at[pl.ds(j * E2 + b0, A2_BLK)], ebs[j])

        def _ch(k, _):
            off = k * 128
            @pl.when(b0 + off < E)
            def _():
                def _idx(i, _2):
                    dv = dstb[pl.ds(off + i * 16, 16)]
                    for j in range(5):
                        idxb[j, pl.ds(i * 16, 16)] = dv + j * N
                    return 0
                lax.fori_loop(0, 8, _idx, 0)
                for j in range(4):
                    pltpu.sync_copy(ebs[j].at[pl.ds(off, 128)], acc.at[idxb.at[j]], add=True)
                pltpu.sync_copy(ones, acc.at[idxb.at[4]], add=True)
            return 0
        lax.fori_loop(0, A2_BLK // 128, _ch, 0)
        return 0
    lax.fori_loop(0, A2_EPT // A2_BLK, _blk, 0)

    plsc.subcore_barrier()
    pltpu.sync_copy(acc.at[pl.ds(s * 16000, 16000)],
                    out.at[pl.ds(c * A2_ACC + s * 16000, 16000)])


def _sc_den(ef, dst):
    mesh = plsc.VectorSubcoreMesh(core_axis_name="c", subcore_axis_name="s")
    f = pl.kernel(
        _sc_den_body,
        out_type=jax.ShapeDtypeStruct((2 * A2_ACC,), jnp.float32),
        mesh=mesh,
        scratch_types=[
            pltpu.VMEM_SHARED((A2_ACC,), jnp.float32),
            pltpu.VMEM((2048,), jnp.float32),
            pltpu.VMEM((A2_BLK,), jnp.int32),
            pltpu.VMEM((A2_BLK,), jnp.float32),
            pltpu.VMEM((A2_BLK,), jnp.float32),
            pltpu.VMEM((A2_BLK,), jnp.float32),
            pltpu.VMEM((A2_BLK,), jnp.float32),
            pltpu.VMEM((128,), jnp.float32),
            pltpu.VMEM((5, 128), jnp.int32),
        ],
        compiler_params=pltpu.CompilerParams(use_tc_tiling_on_sc=False),
    )
    return f(ef, dst)


def _vbcast(vec16, lane):
    idx = jnp.full((16, 1), lane, jnp.int32)
    return lax.gather(
        vec16, idx,
        lax.GatherDimensionNumbers(offset_dims=(), collapsed_slice_dims=(0,), start_index_map=(0,)),
        (1,), mode=lax.GatherScatterMode.PROMISE_IN_BOUNDS)




def _sc_gat_body(h2, ef, src, dst2d, out, acc, zbuf, idxb, dstb, rows, e0b, e1b, *gsems):
    c = lax.axis_index("c")
    s = lax.axis_index("s")

    def _z(i, _):
        zbuf[i, pl.ds(0, 16)] = jnp.zeros((16,), jnp.float32)
        zbuf[i, pl.ds(16, 16)] = jnp.zeros((16,), jnp.float32)
        return 0
    lax.fori_loop(0, 128, _z, 0)

    def _zcp(i, _):
        pltpu.sync_copy(zbuf, acc.at[pl.ds(s * ROWS_PT + i * 128, 128)])
        return 0
    lax.fori_loop(0, ROWS_PT // 128, _zcp, 0)
    plsc.subcore_barrier()

    ebase = s * EPT
    coff = c * NP

    def _gather(ch_in_blk, b):
        pltpu.async_copy(
            h2.at[idxb.at[pl.ds(ch_in_blk * CH, CH)]], rows.at[b], gsems[b])

    def _scatter(ch, b):
        pltpu.make_async_copy(h2.at[pl.ds(0, CH)], rows.at[b], gsems[b]).wait()

        def _w(g, _):
            e0v = e0b[pl.ds(ch * CH + g * 16, 16)]
            e1v = e1b[pl.ds(ch * CH + g * 16, 16)]
            for l in range(16):
                j = g * 16 + l
                e0 = _vbcast(e0v, l)
                e1 = _vbcast(e1v, l)
                rows[b, j, pl.ds(0, 16)] = rows[b, j, pl.ds(0, 16)] * e0
                rows[b, j, pl.ds(16, 16)] = rows[b, j, pl.ds(16, 16)] * e1
            return 0
        lax.fori_loop(0, CH // 16, _w, 0)
        pltpu.sync_copy(rows.at[b], acc.at[dstb.at[ch]], add=True)

    def _block(blk, _):
        b0 = ebase + blk * BLK
        pltpu.sync_copy(src.at[pl.ds(b0, BLK)], idxb)
        pltpu.sync_copy(dst2d.at[pl.ds(s * (EPT // CH) + blk * NCHB, NCHB)], dstb)
        pltpu.sync_copy(ef.at[pl.ds(2 * c * E2 + b0, BLK)], e0b)
        pltpu.sync_copy(ef.at[pl.ds((2 * c + 1) * E2 + b0, BLK)], e1b)

        def _off(i, _):
            idxb[pl.ds(i * 16, 16)] = idxb[pl.ds(i * 16, 16)] + coff
            return 0
        lax.fori_loop(0, BLK // 16, _off, 0)

        for b in range(NBUF):
            _gather(b, b)

        def _grp(g, _):
            k0 = g * NBUF
            for b in range(NBUF):
                ch = k0 + b
                _scatter(ch, b)
                _gather(ch + NBUF, b)
            return 0
        lax.fori_loop(0, (NCHB - NBUF) // NBUF, _grp, 0)

        for b in range(NBUF):
            _scatter(NCHB - NBUF + b, b)
        return 0

    lax.fori_loop(0, NBLK, _block, 0)

    plsc.subcore_barrier()
    pltpu.sync_copy(acc.at[pl.ds(s * ROWS_PT, ROWS_PT)],
                    out.at[pl.ds(coff + s * ROWS_PT, ROWS_PT)])


def _sc_gat(h2, ef, src, dst2d):
    mesh = plsc.VectorSubcoreMesh(core_axis_name="c", subcore_axis_name="s")
    f = pl.kernel(
        _sc_gat_body,
        out_type=jax.ShapeDtypeStruct((2 * NP, HW), jnp.float32),
        mesh=mesh,
        scratch_types=[
            pltpu.VMEM_SHARED((NP, HW), jnp.float32),
            pltpu.VMEM((128, HW), jnp.float32),
            pltpu.VMEM((BLK,), jnp.int32),
            pltpu.VMEM((NCHB, CH), jnp.int32),
            pltpu.VMEM((NBUF, CH, HW), jnp.float32),
            pltpu.VMEM((BLK,), jnp.float32),
            pltpu.VMEM((BLK,), jnp.float32),
        ] + [pltpu.SemaphoreType.DMA] * NBUF,
        compiler_params=pltpu.CompilerParams(use_tc_tiling_on_sc=False),
    )
    return f(h2, ef, src, dst2d)


def _split_cols(g):
    lo = jnp.pad(g[:, :HW], ((0, NP - N), (0, 0)))
    hi = jnp.pad(g[:, HW:], ((0, NP - N), (0, 0)))
    return jnp.concatenate([lo, hi], axis=0)


def _merge_cols(a2):
    return jnp.concatenate([a2[:N], a2[NP:NP + N]], axis=1)


def _graph_norm(x, batch, w, bias, ms):
    cnt = jnp.maximum(jax.ops.segment_sum(jnp.ones((x.shape[0],), x.dtype), batch, num_segments=B), 1.0)[:, None]
    mean = jax.ops.segment_sum(x, batch, num_segments=B) / cnt
    out = x - mean[batch] * ms
    var = jax.ops.segment_sum(out * out, batch, num_segments=B) / cnt
    std = jnp.sqrt(var + 1e-5)[batch]
    return w * out / std + bias


def kernel(x, edge_index, batch, W_enc, b_enc, W_gat, att_src, att_dst, b_gat, n1_w, n1_b, n1_ms, W_tag, b_tag, n2_w, n2_b, n2_ms, W_rel, b_rel, W_root, W_c1, b_c1, W_c2, b_c2):
    src = edge_index[0]
    dst2d = edge_index[1].reshape(E // CH, CH)

    x1 = jax.nn.gelu(x @ W_enc + b_enc, approximate=False)

    h = x1 @ W_gat
    hr = h.reshape(N, HEADS, DH)
    a_s = (hr * att_src[None]).sum(-1)
    a_d = (hr * att_dst[None]).sum(-1)
    asd = jnp.concatenate([a_s.T.reshape(-1), a_d.T.reshape(-1)])
    src_p = jnp.pad(src, (0, EPAD))
    dst_p = jnp.pad(edge_index[1], (0, EPAD))
    ef = _sc_att(asd, src_p, dst_p)
    part = _sc_den(ef, dst_p)
    p = part[:A2_ACC] + part[A2_ACC:]
    s4 = p[:4 * N].reshape(4, N).T
    deg = p[4 * N:5 * N]
    aggw = _merge_cols(_sc_gat(_split_cols(h), ef, src, dst2d))
    sc_self = a_s + a_d
    e_self = jnp.exp(jnp.maximum(sc_self, sc_self * 0.2))
    denom = s4 + e_self + 1e-16
    numer = aggw + (e_self[:, :, None] * hr).reshape(N, H)
    gat_out = numer / jnp.repeat(denom, DH, axis=1) + b_gat
    xg = jax.nn.relu(_graph_norm(gat_out, batch, n1_w, n1_b, n1_ms))

    dis = jnp.where(deg > 0, 1.0 / jnp.sqrt(deg), 0.0)[:, None]
    out = xg @ W_tag[0]
    h = xg
    for k in range(1, K + 1):
        agg = _merge_cols(_sc_hop(_split_cols(h * dis), src, dst2d))
        h = agg * dis
        out = out + h @ W_tag[k]
    xt = jax.nn.relu(_graph_norm(out + b_tag, batch, n2_w, n2_b, n2_ms))

    agg = _merge_cols(_sc_hop(_split_cols(xt), src, dst2d))
    xc = jax.nn.relu(agg @ W_rel + b_rel + xt @ W_root)

    cnt = jnp.maximum(jax.ops.segment_sum(jnp.ones((N,), jnp.float32), batch, num_segments=B), 1.0)[:, None]
    xm = jax.ops.segment_max(xc, batch, num_segments=B)
    xm = jnp.where(jnp.isfinite(xm), xm, 0.0)
    xM = jax.ops.segment_sum(xc, batch, num_segments=B) / cnt
    z = jnp.concatenate([xm, xM], axis=1)
    z = jax.nn.gelu(z @ W_c1 + b_c1, approximate=False)
    out = z @ W_c2 + b_c2
    return jax.nn.log_softmax(out, axis=-1)

# --- scband reference (transcript-rebuilt; emitter-appended) ---
"""Pipeline reference for scband-particle-gnn-83820581749131 (READ-ONLY COPY).

The authoritative reference and input builder live on the scoring server;
editing this copy changes nothing except your own understanding.
"""

import jax, jax.numpy as jnp
import numpy as np

N = 50000
E = 800000
B = 64
F = 8
H = 64
HEADS = 4
DH = 16
K = 3
NC = 2


def setup_inputs(seed: int = 0):
    key = jax.random.key(seed)
    ks = jax.random.split(key, 16)
    def w(i, shape, scale=0.1):
        return jax.random.normal(ks[i], shape, dtype=jnp.float32) * scale
    inp = {}
    inp["x"] = jax.random.normal(ks[0], (N, F), dtype=jnp.float32)
    inp["edge_index"] = jax.random.randint(ks[1], (2, E), 0, N, dtype=jnp.int32)
    inp["batch"] = jnp.sort(jax.random.randint(ks[2], (N,), 0, B, dtype=jnp.int32))
    inp["W_enc"] = w(3, (F, H)); inp["b_enc"] = jnp.zeros((H,), jnp.float32)
    inp["W_gat"] = w(4, (H, HEADS * DH)); inp["att_src"] = w(5, (HEADS, DH)); inp["att_dst"] = w(6, (HEADS, DH)); inp["b_gat"] = jnp.zeros((HEADS * DH,), jnp.float32)
    inp["n1_w"] = jnp.ones((H,), jnp.float32); inp["n1_b"] = jnp.zeros((H,), jnp.float32); inp["n1_ms"] = jnp.ones((H,), jnp.float32)
    inp["W_tag"] = w(7, (K + 1, H, H)); inp["b_tag"] = jnp.zeros((H,), jnp.float32)
    inp["n2_w"] = jnp.ones((H,), jnp.float32); inp["n2_b"] = jnp.zeros((H,), jnp.float32); inp["n2_ms"] = jnp.ones((H,), jnp.float32)
    inp["W_rel"] = w(8, (H, H)); inp["b_rel"] = jnp.zeros((H,), jnp.float32); inp["W_root"] = w(9, (H, H))
    inp["W_c1"] = w(10, (2 * H, H)); inp["b_c1"] = jnp.zeros((H,), jnp.float32)
    inp["W_c2"] = w(11, (H, NC)); inp["b_c2"] = jnp.zeros((NC,), jnp.float32)
    return inp


def _segment_softmax(scores, seg, n):
    m = jax.ops.segment_max(scores, seg, num_segments=n)
    m = jnp.where(jnp.isfinite(m), m, 0.0)
    e = jnp.exp(scores - m[seg])
    s = jax.ops.segment_sum(e, seg, num_segments=n)
    return e / (s[seg] + 1e-16)


def _gat(x, ei, W, att_s, att_d, b):
    n = x.shape[0]
    sl = jnp.arange(n, dtype=ei.dtype)
    ei = jnp.concatenate([ei, jnp.stack([sl, sl])], axis=1)
    src, dst = ei[0], ei[1]
    h = (x @ W).reshape(n, HEADS, DH)
    a_s = (h * att_s[None]).sum(-1)
    a_d = (h * att_d[None]).sum(-1)
    alpha = jax.nn.leaky_relu(a_s[src] + a_d[dst], negative_slope=0.2)
    alpha = _segment_softmax(alpha, dst, n)
    out = jax.ops.segment_sum(h[src] * alpha[:, :, None], dst, num_segments=n)
    return out.reshape(n, HEADS * DH) + b


def _graph_norm(x, batch, w, bias, ms):
    cnt = jnp.maximum(jax.ops.segment_sum(jnp.ones((x.shape[0],), x.dtype), batch, num_segments=B), 1.0)[:, None]
    mean = jax.ops.segment_sum(x, batch, num_segments=B) / cnt
    out = x - mean[batch] * ms
    var = jax.ops.segment_sum(out * out, batch, num_segments=B) / cnt
    std = jnp.sqrt(var + 1e-5)[batch]
    return w * out / std + bias


def _tag(x, ei, Ws, b):
    n = x.shape[0]
    src, dst = ei[0], ei[1]
    deg = jax.ops.segment_sum(jnp.ones((ei.shape[1],), x.dtype), dst, num_segments=n)
    dis = jnp.where(deg > 0, 1.0 / jnp.sqrt(deg), 0.0)
    norm = (dis[src] * dis[dst])[:, None]
    out = x @ Ws[0]
    h = x
    for k in range(1, K + 1):
        h = jax.ops.segment_sum(h[src] * norm, dst, num_segments=n)
        out = out + h @ Ws[k]
    return out + b


def _gconv(x, ei, Wr, br, Wroot):
    n = x.shape[0]
    agg = jax.ops.segment_sum(x[ei[0]], ei[1], num_segments=n)
    return agg @ Wr + br + x @ Wroot


def _forward(x, edge_index, batch, W_enc, b_enc, W_gat, att_src, att_dst, b_gat, n1_w, n1_b, n1_ms, W_tag, b_tag, n2_w, n2_b, n2_ms, W_rel, b_rel, W_root, W_c1, b_c1, W_c2, b_c2):
    x = jax.nn.gelu(x @ W_enc + b_enc, approximate=False)
    x = jax.nn.relu(_graph_norm(_gat(x, edge_index, W_gat, att_src, att_dst, b_gat), batch, n1_w, n1_b, n1_ms))
    x = jax.nn.relu(_graph_norm(_tag(x, edge_index, W_tag, b_tag), batch, n2_w, n2_b, n2_ms))
    x = jax.nn.relu(_gconv(x, edge_index, W_rel, b_rel, W_root))
    cnt = jnp.maximum(jax.ops.segment_sum(jnp.ones((x.shape[0],), x.dtype), batch, num_segments=B), 1.0)[:, None]
    xm = jax.ops.segment_max(x, batch, num_segments=B)
    xm = jnp.where(jnp.isfinite(xm), xm, 0.0)
    xM = jax.ops.segment_sum(x, batch, num_segments=B) / cnt
    z = jnp.concatenate([xm, xM], axis=1)
    z = jax.nn.gelu(z @ W_c1 + b_c1, approximate=False)
    out = z @ W_c2 + b_c2
    return jax.nn.log_softmax(out, axis=-1)


def reference(x, edge_index, batch, W_enc, b_enc, W_gat, att_src, att_dst, b_gat, n1_w, n1_b, n1_ms, W_tag, b_tag, n2_w, n2_b, n2_ms, W_rel, b_rel, W_root, W_c1, b_c1, W_c2, b_c2):
    return _forward(x=x, edge_index=edge_index, batch=batch, W_enc=W_enc, b_enc=b_enc, W_gat=W_gat, att_src=att_src, att_dst=att_dst, b_gat=b_gat, n1_w=n1_w, n1_b=n1_b, n1_ms=n1_ms, W_tag=W_tag, b_tag=b_tag, n2_w=n2_w, n2_b=n2_b, n2_ms=n2_ms, W_rel=W_rel, b_rel=b_rel, W_root=W_root, W_c1=W_c1, b_c1=b_c1, W_c2=W_c2, b_c2=b_c2)

if __name__ == "__main__":
    import jax
    _d = setup_inputs()
    print(jax.jit(kernel)(*tuple(_d.values())))

</pallas_src>

<mosaic_0001>
#map = affine_map<(d0, d1) -> (0, 0)>
#map1 = affine_map<(d0, d1) -> (0)>
module attributes {stable_mosaic.version = 14 : i64} {
  func.func @_sc_hop_body(%arg0: i32, %arg1: i32, %arg2: memref<102400x32xf32, #tpu.memory_space<hbm>>, %arg3: memref<800000xi32, #tpu.memory_space<hbm>>, %arg4: memref<10000x80xi32, #tpu.memory_space<hbm>>, %arg5: memref<102400x32xf32, #tpu.memory_space<hbm>>, %arg6: memref<51200x32xf32, #tpu.memory_space<vmem_shared>>, %arg7: memref<128x32xf32, #tpu.memory_space<vmem>>, %arg8: memref<2000xi32, #tpu.memory_space<vmem>>, %arg9: memref<25x80xi32, #tpu.memory_space<vmem>>, %arg10: memref<5x80x32xf32, #tpu.memory_space<vmem>>, %arg11: memref<!tpu.dma_semaphore, #tpu.memory_space<semaphore_mem>>, %arg12: memref<!tpu.dma_semaphore, #tpu.memory_space<semaphore_mem>>, %arg13: memref<!tpu.dma_semaphore, #tpu.memory_space<semaphore_mem>>, %arg14: memref<!tpu.dma_semaphore, #tpu.memory_space<semaphore_mem>>, %arg15: memref<!tpu.dma_semaphore, #tpu.memory_space<semaphore_mem>>) attributes {dimension_semantics = [#tpu.dimension_semantics<core_parallel>, #tpu.dimension_semantics<subcore_parallel>], iteration_bounds = array<i64: 2, 16>, scalar_prefetch = 0 : i64, scratch_operands = 10 : i64, tpu.core_type = #tpu.core_type<sc_vector_subcore>, window_params = [{transform_indices = #map}, {transform_indices = #map1}, {transform_indices = #map}, {transform_indices = #map}]} {
    %scan3A = arith.constant 0 : i32
    %scan3A_0 = arith.constant 0 : i32
    %scan3A_1 = arith.constant 128 : i32
    %scan3A_2 = arith.addi %scan3A_0, %scan3A_1 : i32
    %scan3A_3 = arith.constant 1 : i32
    %scan3A_4 = scf.for %scan3A_28 = %scan3A_0 to %scan3A_2 step %scan3A_3 iter_args(%scan3A_29 = %scan3A) -> (i32)  : i32 {
      %broadcast_in_dim3A = arith.constant 0.000000e+00 : f32
      %broadcast_in_dim3A_30 = vector.broadcast %broadcast_in_dim3A : f32 to vector<16xf32>
      %swap3A = arith.index_cast %scan3A_28 : i32 to index
      %swap3A_31 = arith.constant 0 : index
      %swap3A_32 = tpu.vector_load %arg7[%swap3A, %swap3A_31] {strides = array<i32>} : memref<128x32xf32, #tpu.memory_space<vmem>>, vector<1x16xf32>,
      %swap3A_33 = vector.shape_cast %swap3A_32 : vector<1x16xf32> to vector<16xf32>
      %swap3A_34 = vector.shape_cast %broadcast_in_dim3A_30 : vector<16xf32> to vector<1x16xf32>
      tpu.vector_store %arg7[%swap3A, %swap3A_31], %swap3A_34 {strides = array<i32>} : memref<128x32xf32, #tpu.memory_space<vmem>>, vector<1x16xf32>,
      %broadcast_in_dim3A_35 = arith.constant 0.000000e+00 : f32
      %broadcast_in_dim3A_36 = vector.broadcast %broadcast_in_dim3A_35 : f32 to vector<16xf32>
      %swap3A_37 = arith.index_cast %scan3A_28 : i32 to index
      %swap3A_38 = arith.constant 16 : index
      %swap3A_39 = tpu.vector_load %arg7[%swap3A_37, %swap3A_38] {strides = array<i32>} : memref<128x32xf32, #tpu.memory_space<vmem>>, vector<1x16xf32>,
      %swap3A_40 = vector.shape_cast %swap3A_39 : vector<1x16xf32> to vector<16xf32>
      %swap3A_41 = vector.shape_cast %broadcast_in_dim3A_36 : vector<16xf32> to vector<1x16xf32>
      tpu.vector_store %arg7[%swap3A_37, %swap3A_38], %swap3A_41 {strides = array<i32>} : memref<128x32xf32, #tpu.memory_space<vmem>>, vector<1x16xf32>,
      %scan3A_42 = arith.constant 0 : i32
      scf.yield %scan3A_42 : i32
    }
    %scan3A_5 = arith.constant 128 : i32
    %scan3A_6 = arith.constant 0 : i32
    %scan3A_7 = arith.constant 0 : i32
    %scan3A_8 = arith.constant 25 : i32
    %scan3A_9 = arith.addi %scan3A_7, %scan3A_8 : i32
    %scan3A_10 = arith.constant 1 : i32
    %scan3A_11 = scf.for %scan3A_28 = %scan3A_7 to %scan3A_9 step %scan3A_10 iter_args(%scan3A_29 = %scan3A_6) -> (i32)  : i32 {
      %mul3A_30 = arith.constant 3200 : i32
      %mul3A_31 = arith.muli %arg1, %mul3A_30 : i32
      %mul3A_32 = arith.constant 128 : i32
      %mul3A_33 = arith.muli %scan3A_28, %mul3A_32 : i32
      %add3A_34 = arith.addi %mul3A_31, %mul3A_33 : i32
      "tpu.region"() ({
        %run_scoped3A = tpu.sem_alloc : memref<!tpu.dma_semaphore, #tpu.memory_space<semaphore_mem>>
        %dma_start3A = arith.constant 0 : i32
        %dma_start3A_36 = tpu.memref_slice %arg6[%add3A_34, %dma_start3A] : memref<51200x32xf32, #tpu.memory_space<vmem_shared>> -> memref<128x32xf32, #tpu.memory_space<vmem_shared>>
        %dma_start3A_37 = arith.constant 0 : i32
        %dma_start3A_38 = tpu.memref_slice %arg6[%add3A_34, %dma_start3A_37] : memref<51200x32xf32, #tpu.memory_space<vmem_shared>> -> memref<128x32xf32, #tpu.memory_space<vmem_shared>>
        tpu.enqueue_dma source(%arg7 : memref<128x32xf32, #tpu.memory_space<vmem>>) target(%dma_start3A_38 : memref<128x32xf32, #tpu.memory_space<vmem_shared>>) target_semaphore(%run_scoped3A : memref<!tpu.dma_semaphore, #tpu.memory_space<semaphore_mem>>)
        %dma_wait3A = arith.constant 0 : i32
        %dma_wait3A_39 = tpu.memref_slice %arg6[%add3A_34, %dma_wait3A] : memref<51200x32xf32, #tpu.memory_space<vmem_shared>> -> memref<128x32xf32, #tpu.memory_space<vmem_shared>>
        %dma_wait3A_40 = arith.constant 0 : i32
        %dma_wait3A_41 = tpu.memref_slice %arg6[%add3A_34, %dma_wait3A_40] : memref<51200x32xf32, #tpu.memory_space<vmem_shared>> -> memref<128x32xf32, #tpu.memory_space<vmem_shared>>
        tpu.wait_dma2 semaphore(%run_scoped3A : memref<!tpu.dma_semaphore, #tpu.memory_space<semaphore_mem>>) src(%arg7 : memref<128x32xf32, #tpu.memory_space<vmem>>) dst(%dma_wait3A_41 : memref<128x32xf32, #tpu.memory_space<vmem_shared>>)
        tpu.yield
      }) : () -> ()
      %scan3A_35 = arith.constant 0 : i32
      scf.yield %scan3A_35 : i32
    }
    %scan3A_12 = arith.constant 25 : i32
    %barrier3A = arith.constant 0 : index
    tpu.barrier barrier_id(%barrier3A)
    %mul3A = arith.constant 50000 : i32
    %mul3A_13 = arith.muli %arg1, %mul3A : i32
    %mul3A_14 = arith.constant 51200 : i32
    %mul3A_15 = arith.muli %arg0, %mul3A_14 : i32
    %scan3A_16 = arith.constant 0 : i32
    %scan3A_17 = arith.constant 0 : i32
    %scan3A_18 = arith.constant 25 : i32
    %scan3A_19 = arith.addi %scan3A_17, %scan3A_18 : i32
    %scan3A_20 = arith.constant 1 : i32
    %scan3A_21 = scf.for %scan3A_28 = %scan3A_17 to %scan3A_19 step %scan3A_20 iter_args(%scan3A_29 = %scan3A_16) -> (i32)  : i32 {
      %mul3A_30 = arith.constant 2000 : i32
      %mul3A_31 = arith.muli %scan3A_28, %mul3A_30 : i32
      %add3A_32 = arith.addi %mul3A_13, %mul3A_31 : i32
      "tpu.region"() ({
        %run_scoped3A_185 = tpu.sem_alloc : memref<!tpu.dma_semaphore, #tpu.memory_space<semaphore_mem>>
        %dma_start3A_186 = tpu.memref_slice %arg3[%add3A_32] : memref<800000xi32, #tpu.memory_space<hbm>> -> memref<2000xi32, #tpu.memory_space<hbm>>
        %dma_start3A_187 = tpu.memref_slice %arg3[%add3A_32] : memref<800000xi32, #tpu.memory_space<hbm>> -> memref<2000xi32, #tpu.memory_space<hbm>>
        tpu.enqueue_dma source(%dma_start3A_187 : memref<2000xi32, #tpu.memory_space<hbm>>) target(%arg8 : memref<2000xi32, #tpu.memory_space<vmem>>) target_semaphore(%run_scoped3A_185 : memref<!tpu.dma_semaphore, #tpu.memory_space<semaphore_mem>>)
        %dma_wait3A_188 = tpu.memref_slice %arg3[%add3A_32] : memref<800000xi32, #tpu.memory_space<hbm>> -> memref<2000xi32, #tpu.memory_space<hbm>>
        %dma_wait3A_189 = tpu.memref_slice %arg3[%add3A_32] : memref<800000xi32, #tpu.memory_space<hbm>> -> memref<2000xi32, #tpu.memory_space<hbm>>
        tpu.wait_dma2 semaphore(%run_scoped3A_185 : memref<!tpu.dma_semaphore, #tpu.memory_space<semaphore_mem>>) src(%dma_wait3A_189 : memref<2000xi32, #tpu.memory_space<hbm>>) dst(%arg8 : memref<2000xi32, #tpu.memory_space<vmem>>)
        tpu.yield
      }) : () -> ()
      %mul3A_33 = arith.constant 625 : i32
      %mul3A_34 = arith.muli %arg1, %mul3A_33 : i32
      %mul3A_35 = arith.constant 25 : i32
      %mul3A_36 = arith.muli %scan3A_28, %mul3A_35 : i32
      %add3A_37 = arith.addi %mul3A_34, %mul3A_36 : i32
      "tpu.region"() ({
        %run_scoped3A_185 = tpu.sem_alloc : memref<!tpu.dma_semaphore, #tpu.memory_space<semaphore_mem>>
        %dma_start3A_186 = arith.constant 0 : i32
        %dma_start3A_187 = tpu.memref_slice %arg4[%add3A_37, %dma_start3A_186] : memref<10000x80xi32, #tpu.memory_space<hbm>> -> memref<25x80xi32, #tpu.memory_space<hbm>>
        %dma_start3A_188 = arith.constant 0 : i32
        %dma_start3A_189 = tpu.memref_slice %arg4[%add3A_37, %dma_start3A_188] : memref<10000x80xi32, #tpu.memory_space<hbm>> -> memref<25x80xi32, #tpu.memory_space<hbm>>
        tpu.enqueue_dma source(%dma_start3A_189 : memref<25x80xi32, #tpu.memory_space<hbm>>) target(%arg9 : memref<25x80xi32, #tpu.memory_space<vmem>>) target_semaphore(%run_scoped3A_185 : memref<!tpu.dma_semaphore, #tpu.memory_space<semaphore_mem>>)
        %dma_wait3A_190 = arith.constant 0 : i32
        %dma_wait3A_191 = tpu.memref_slice %arg4[%add3A_37, %dma_wait3A_190] : memref<10000x80xi32, #tpu.memory_space<hbm>> -> memref<25x80xi32, #tpu.memory_space<hbm>>
        %dma_wait3A_192 = arith.constant 0 : i32
        %dma_wait3A_193 = tpu.memref_slice %arg4[%add3A_37, %dma_wait3A_192] : memref<10000x80xi32, #tpu.memory_space<hbm>> -> memref<25x80xi32, #tpu.memory_space<hbm>>
        tpu.wait_dma2 semaphore(%run_scoped3A_185 : memref<!tpu.dma_semaphore, #tpu.memory_space<semaphore_mem>>) src(%dma_wait3A_193 : memref<25x80xi32, #tpu.memory_space<hbm>>) dst(%arg9 : memref<25x80xi32, #tpu.memory_space<vmem>>)
        tpu.yield
      }) : () -> ()
      %scan3A_38 = arith.constant 0 : i32
      %scan3A_39 = arith.constant 0 : i32
      %scan3A_40 = arith.constant 125 : i32
      %scan3A_41 = arith.addi %scan3A_39, %scan3A_40 : i32
      %scan3A_42 = arith.constant 1 : i32
      %scan3A_43 = scf.for %scan3A_185 = %scan3A_39 to %scan3A_41 step %scan3A_42 iter_args(%scan3A_186 = %scan3A_38) -> (i32)  : i32 {
        %mul3A_187 = arith.constant 16 : i32
        %mul3A_188 = arith.muli %scan3A_185, %mul3A_187 : i32
        %get3A = arith.index_cast %mul3A_188 : i32 to index
        %get3A_189 = tpu.vector_load %arg8[%get3A] {strides = array<i32>} : memref<2000xi32, #tpu.memory_space<vmem>>, vector<16xi32>,
        %get3A_190 = vector.shape_cast %get3A_189 : vector<16xi32> to vector<16xi32>
        %add3A_191 = vector.broadcast %mul3A_15 : i32 to vector<16xi32>
        %add3A_192 = arith.addi %get3A_190, %add3A_191 : vector<16xi32>
        %mul3A_193 = arith.constant 16 : i32
        %mul3A_194 = arith.muli %scan3A_185, %mul3A_193 : i32
        %swap3A = arith.index_cast %mul3A_194 : i32 to index
        %swap3A_195 = tpu.vector_load %arg8[%swap3A] {strides = array<i32>} : memref<2000xi32, #tpu.memory_space<vmem>>, vector<16xi32>,
        %swap3A_196 = vector.shape_cast %swap3A_195 : vector<16xi32> to vector<16xi32>
        %swap3A_197 = vector.shape_cast %add3A_192 : vector<16xi32> to vector<16xi32>
        tpu.vector_store %arg8[%swap3A], %swap3A_197 {strides = array<i32>} : memref<2000xi32, #tpu.memory_space<vmem>>, vector<16xi32>,
        %scan3A_198 = arith.constant 0 : i32
        scf.yield %scan3A_198 : i32
      }
      %scan3A_44 = arith.constant 125 : i32
      %dma_start3A = arith.constant 0 : i32
      %dma_start3A_45 = arith.constant 0 : i32
      %dma_start3A_46 = arith.constant 0 : i32
      %dma_start3A_47 = tpu.memref_slice %arg10[%dma_start3A, %dma_start3A_45, %dma_start3A_46] : memref<5x80x32xf32, #tpu.memory_space<vmem>> -> memref<1x80x32xf32, #tpu.memory_space<vmem>>
      %dma_start3A_48 = tpu.memref_squeeze %dma_start3A_47 : memref<1x80x32xf32, #tpu.memory_space<vmem>> -> memref<80x32xf32, #tpu.memory_space<vmem>>
      %dma_start3A_49 = arith.constant 0 : i32
      %dma_start3A_50 = tpu.memref_slice %arg8[%dma_start3A_49] : memref<2000xi32, #tpu.memory_space<vmem>> -> memref<80xi32, #tpu.memory_space<vmem>>
      %dma_start3A_51 = arith.constant 0 : i32
      %dma_start3A_52 = arith.constant 0 : i32
      %dma_start3A_53 = tpu.memref_slice %arg2[%dma_start3A_51, %dma_start3A_52] : memref<102400x32xf32, #tpu.memory_space<hbm>> -> memref<102400x32xf32, #tpu.memory_space<hbm>>
      tpu.enqueue_indirect_dma source(%dma_start3A_53 : memref<102400x32xf32, #tpu.memory_space<hbm>>) target(%dma_start3A_48 : memref<80x32xf32, #tpu.memory_space<vmem>>) offsets(%dma_start3A_50 : memref<80xi32, #tpu.memory_space<vmem>>) semaphore(%arg11 : memref<!tpu.dma_semaphore, #tpu.memory_space<semaphore_mem>>)
      %dma_start3A_54 = arith.constant 1 : i32
      %dma_start3A_55 = arith.constant 0 : i32
      %dma_start3A_56 = arith.constant 0 : i32
      %dma_start3A_57 = tpu.memref_slice %arg10[%dma_start3A_54, %dma_start3A_55, %dma_start3A_56] : memref<5x80x32xf32, #tpu.memory_space<vmem>> -> memref<1x80x32xf32, #tpu.memory_space<vmem>>
      %dma_start3A_58 = tpu.memref_squeeze %dma_start3A_57 : memref<1x80x32xf32, #tpu.memory_space<vmem>> -> memref<80x32xf32, #tpu.memory_space<vmem>>
      %dma_start3A_59 = arith.constant 80 : i32
      %dma_start3A_60 = tpu.memref_slice %arg8[%dma_start3A_59] : memref<2000xi32, #tpu.memory_space<vmem>> -> memref<80xi32, #tpu.memory_space<vmem>>
      %dma_start3A_61 = arith.constant 0 : i32
      %dma_start3A_62 = arith.constant 0 : i32
      %dma_start3A_63 = tpu.memref_slice %arg2[%dma_start3A_61, %dma_start3A_62] : memref<102400x32xf32, #tpu.memory_space<hbm>> -> memref<102400x32xf32, #tpu.memory_space<hbm>>
      tpu.enqueue_indirect_dma source(%dma_start3A_63 : memref<102400x32xf32, #tpu.memory_space<hbm>>) target(%dma_start3A_58 : memref<80x32xf32, #tpu.memory_space<vmem>>) offsets(%dma_start3A_60 : memref<80xi32, #tpu.memory_space<vmem>>) semaphore(%arg12 : memref<!tpu.dma_semaphore, #tpu.memory_space<semaphore_mem>>)
      %dma_start3A_64 = arith.constant 2 : i32
      %dma_start3A_65 = arith.constant 0 : i32
      %dma_start3A_66 = arith.constant 0 : i32
      %dma_start3A_67 = tpu.memref_slice %arg10[%dma_start3A_64, %dma_start3A_65, %dma_start3A_66] : memref<5x80x32xf32, #tpu.memory_space<vmem>> -> memref<1x80x32xf32, #tpu.memory_space<vmem>>
      %dma_start3A_68 = tpu.memref_squeeze %dma_start3A_67 : memref<1x80x32xf32, #tpu.memory_space<vmem>> -> memref<80x32xf32, #tpu.memory_space<vmem>>
      %dma_start3A_69 = arith.constant 160 : i32
      %dma_start3A_70 = tpu.memref_slice %arg8[%dma_start3A_69] : memref<2000xi32, #tpu.memory_space<vmem>> -> memref<80xi32, #tpu.memory_space<vmem>>
      %dma_start3A_71 = arith.constant 0 : i32
      %dma_start3A_72 = arith.constant 0 : i32
      %dma_start3A_73 = tpu.memref_slice %arg2[%dma_start3A_71, %dma_start3A_72] : memref<102400x32xf32, #tpu.memory_space<hbm>> -> memref<102400x32xf32, #tpu.memory_space<hbm>>
      tpu.enqueue_indirect_dma source(%dma_start3A_73 : memref<102400x32xf32, #tpu.memory_space<hbm>>) target(%dma_start3A_68 : memref<80x32xf32, #tpu.memory_space<vmem>>) offsets(%dma_start3A_70 : memref<80xi32, #tpu.memory_space<vmem>>) semaphore(%arg13 : memref<!tpu.dma_semaphore, #tpu.memory_space<semaphore_mem>>)
      %dma_start3A_74 = arith.constant 3 : i32
      %dma_start3A_75 = arith.constant 0 : i32
      %dma_start3A_76 = arith.constant 0 : i32
      %dma_start3A_77 = tpu.memref_slice %arg10[%dma_start3A_74, %dma_start3A_75, %dma_start3A_76] : memref<5x80x32xf32, #tpu.memory_space<vmem>> -> memref<1x80x32xf32, #tpu.memory_space<vmem>>
      %dma_start3A_78 = tpu.memref_squeeze %dma_start3A_77 : memref<1x80x32xf32, #tpu.memory_space<vmem>> -> memref<80x32xf32, #tpu.memory_space<vmem>>
      %dma_start3A_79 = arith.constant 240 : i32
      %dma_start3A_80 = tpu.memref_slice %arg8[%dma_start3A_79] : memref<2000xi32, #tpu.memory_space<vmem>> -> memref<80xi32, #tpu.memory_space<vmem>>
      %dma_start3A_81 = arith.constant 0 : i32
      %dma_start3A_82 = arith.constant 0 : i32
      %dma_start3A_83 = tpu.memref_slice %arg2[%dma_start3A_81, %dma_start3A_82] : memref<102400x32xf32, #tpu.memory_space<hbm>> -> memref<102400x32xf32, #tpu.memory_space<hbm>>
      tpu.enqueue_indirect_dma source(%dma_start3A_83 : memref<102400x32xf32, #tpu.memory_space<hbm>>) target(%dma_start3A_78 : memref<80x32xf32, #tpu.memory_space<vmem>>) offsets(%dma_start3A_80 : memref<80xi32, #tpu.memory_space<vmem>>) semaphore(%arg14 : memref<!tpu.dma_semaphore, #tpu.memory_space<semaphore_mem>>)
      %dma_start3A_84 = arith.constant 4 : i32
      %dma_start3A_85 = arith.constant 0 : i32
      %dma_start3A_86 = arith.constant 0 : i32
      %dma_start3A_87 = tpu.memref_slice %arg10[%dma_start3A_84, %dma_start3A_85, %dma_start3A_86] : memref<5x80x32xf32, #tpu.memory_space<vmem>> -> memref<1x80x32xf32, #tpu.memory_space<vmem>>
      %dma_start3A_88 = tpu.memref_squeeze %dma_start3A_87 : memref<1x80x32xf32, #tpu.memory_space<vmem>> -> memref<80x32xf32, #tpu.memory_space<vmem>>
      %dma_start3A_89 = arith.constant 320 : i32
      %dma_start3A_90 = tpu.memref_slice %arg8[%dma_start3A_89] : memref<2000xi32, #tpu.memory_space<vmem>> -> memref<80xi32, #tpu.memory_space<vmem>>
      %dma_start3A_91 = arith.constant 0 : i32
      %dma_start3A_92 = arith.constant 0 : i32
      %dma_start3A_93 = tpu.memref_slice %arg2[%dma_start3A_91, %dma_start3A_92] : memref<102400x32xf32, #tpu.memory_space<hbm>> -> memref<102400x32xf32, #tpu.memory_space<hbm>>
      tpu.enqueue_indirect_dma source(%dma_start3A_93 : memref<102400x32xf32, #tpu.memory_space<hbm>>) target(%dma_start3A_88 : memref<80x32xf32, #tpu.memory_space<vmem>>) offsets(%dma_start3A_90 : memref<80xi32, #tpu.memory_space<vmem>>) semaphore(%arg15 : memref<!tpu.dma_semaphore, #tpu.memory_space<semaphore_mem>>)
      %scan3A_94 = arith.constant 0 : i32
      %scan3A_95 = arith.constant 0 : i32
      %scan3A_96 = arith.constant 4 : i32
      %scan3A_97 = arith.addi %scan3A_95, %scan3A_96 : i32
      %scan3A_98 = arith.constant 1 : i32
      %scan3A_99 = scf.for %scan3A_185 = %scan3A_95 to %scan3A_97 step %scan3A_98 iter_args(%scan3A_186 = %scan3A_94) -> (i32)  : i32 {
        %mul3A_187 = arith.constant 5 : i32
        %mul3A_188 = arith.muli %scan3A_185, %mul3A_187 : i32
        %add3A_189 = arith.constant 0 : i32
        %add3A_190 = arith.addi %mul3A_188, %add3A_189 : i32
        %dma_wait3A_191 = arith.constant 0 : i32
        %dma_wait3A_192 = arith.constant 0 : i32
        %dma_wait3A_193 = arith.constant 0 : i32
        %dma_wait3A_194 = tpu.memref_slice %arg10[%dma_wait3A_191, %dma_wait3A_192, %dma_wait3A_193] : memref<5x80x32xf32, #tpu.memory_space<vmem>> -> memref<1x80x32xf32, #tpu.memory_space<vmem>>
        %dma_wait3A_195 = tpu.memref_squeeze %dma_wait3A_194 : memref<1x80x32xf32, #tpu.memory_space<vmem>> -> memref<80x32xf32, #tpu.memory_space<vmem>>
        %dma_wait3A_196 = arith.constant 0 : i32
        %dma_wait3A_197 = arith.constant 0 : i32
        %dma_wait3A_198 = tpu.memref_slice %arg2[%dma_wait3A_196, %dma_wait3A_197] : memref<102400x32xf32, #tpu.memory_space<hbm>> -> memref<80x32xf32, #tpu.memory_space<hbm>>
        %dma_wait3A_199 = arith.constant 0 : i32
        %dma_wait3A_200 = arith.constant 0 : i32
        %dma_wait3A_201 = tpu.memref_slice %arg10[%dma_wait3A_191, %dma_wait3A_199, %dma_wait3A_200] : memref<5x80x32xf32, #tpu.memory_space<vmem>> -> memref<1x80x32xf32, #tpu.memory_space<vmem>>
        %dma_wait3A_202 = tpu.memref_squeeze %dma_wait3A_201 : memref<1x80x32xf32, #tpu.memory_space<vmem>> -> memref<80x32xf32, #tpu.memory_space<vmem>>
        %dma_wait3A_203 = arith.constant 0 : i32
        %dma_wait3A_204 = arith.constant 0 : i32
        %dma_wait3A_205 = tpu.memref_slice %arg2[%dma_wait3A_203, %dma_wait3A_204] : memref<102400x32xf32, #tpu.memory_space<hbm>> -> memref<80x32xf32, #tpu.memory_space<hbm>>
        tpu.wait_dma2 semaphore(%arg11 : memref<!tpu.dma_semaphore, #tpu.memory_space<semaphore_mem>>) src(%dma_wait3A_205 : memref<80x32xf32, #tpu.memory_space<hbm>>) dst(%dma_wait3A_202 : memref<80x32xf32, #tpu.memory_space<vmem>>)
        %run_scoped3A_206 = arith.constant 0 : i32
        "tpu.region"() ({
          %run_scoped3A_345 = tpu.sem_alloc : memref<!tpu.dma_semaphore, #tpu.memory_space<semaphore_mem>>
          %dma_start3A_346 = arith.constant 0 : i32
          %dma_start3A_347 = arith.constant 0 : i32
          %dma_start3A_348 = tpu.memref_slice %arg10[%run_scoped3A_206, %dma_start3A_346, %dma_start3A_347] : memref<5x80x32xf32, #tpu.memory_space<vmem>> -> memref<1x80x32xf32, #tpu.memory_space<vmem>>
          %dma_start3A_349 = tpu.memref_squeeze %dma_start3A_348 : memref<1x80x32xf32, #tpu.memory_space<vmem>> -> memref<80x32xf32, #tpu.memory_space<vmem>>
          %dma_start3A_350 = arith.constant 0 : i32
          %dma_start3A_351 = tpu.memref_slice %arg9[%add3A_190, %dma_start3A_350] : memref<25x80xi32, #tpu.memory_space<vmem>> -> memref<1x80xi32, #tpu.memory_space<vmem>>
          %dma_start3A_352 = tpu.memref_squeeze %dma_start3A_351 : memref<1x80xi32, #tpu.memory_space<vmem>> -> memref<80xi32, #tpu.memory_space<vmem>>
          %dma_start3A_353 = arith.constant 0 : i32
          %dma_start3A_354 = arith.constant 0 : i32
          %dma_start3A_355 = tpu.memref_slice %arg6[%dma_start3A_353, %dma_start3A_354] : memref<51200x32xf32, #tpu.memory_space<vmem_shared>> -> memref<51200x32xf32, #tpu.memory_space<vmem_shared>>
          tpu.enqueue_indirect_dma source(%dma_start3A_349 : memref<80x32xf32, #tpu.memory_space<vmem>>) target(%dma_start3A_355 : memref<51200x32xf32, #tpu.memory_space<vmem_shared>>) offsets(%dma_start3A_352 : memref<80xi32, #tpu.memory_space<vmem>>) semaphore(%run_scoped3A_345 : memref<!tpu.dma_semaphore, #tpu.memory_space<semaphore_mem>>) {add = true}
          %dma_wait3A_356 = arith.constant 0 : i32
          %dma_wait3A_357 = arith.constant 0 : i32
          %dma_wait3A_358 = tpu.memref_slice %arg10[%run_scoped3A_206, %dma_wait3A_356, %dma_wait3A_357] : memref<5x80x32xf32, #tpu.memory_space<vmem>> -> memref<1x80x32xf32, #tpu.memory_space<vmem>>
          %dma_wait3A_359 = tpu.memref_squeeze %dma_wait3A_358 : memref<1x80x32xf32, #tpu.memory_space<vmem>> -> memref<80x32xf32, #tpu.memory_space<vmem>>
          %dma_wait3A_360 = arith.constant 0 : i32
          %dma_wait3A_361 = tpu.memref_slice %arg9[%add3A_190, %dma_wait3A_360] : memref<25x80xi32, #tpu.memory_space<vmem>> -> memref<1x80xi32, #tpu.memory_space<vmem>>
          %dma_wait3A_362 = tpu.memref_squeeze %dma_wait3A_361 : memref<1x80xi32, #tpu.memory_space<vmem>> -> memref<80xi32, #tpu.memory_space<vmem>>
          %dma_wait3A_363 = arith.constant 0 : i32
          %dma_wait3A_364 = arith.constant 0 : i32
          %dma_wait3A_365 = tpu.memref_slice %arg6[%dma_wait3A_363, %dma_wait3A_364] : memref<51200x32xf32, #tpu.memory_space<vmem_shared>> -> memref<51200x32xf32, #tpu.memory_space<vmem_shared>>
          tpu.wait_indirect_dma semaphore(%run_scoped3A_345 : memref<!tpu.dma_semaphore, #tpu.memory_space<semaphore_mem>>) src(%dma_wait3A_359 : memref<80x32xf32, #tpu.memory_space<vmem>>) dst(%dma_wait3A_365 : memref<51200x32xf32, #tpu.memory_space<vmem_shared>>)
          tpu.yield
        }) : () -> ()
        %add3A_207 = arith.constant 5 : i32
        %add3A_208 = arith.addi %add3A_190, %add3A_207 : i32
        %mul3A_209 = arith.constant 80 : i32
        %mul3A_210 = arith.muli %add3A_208, %mul3A_209 : i32
        %dma_start3A_211 = arith.constant 0 : i32
        %dma_start3A_212 = arith.constant 0 : i32
        %dma_start3A_213 = arith.constant 0 : i32
        %dma_start3A_214 = tpu.memref_slice %arg10[%dma_start3A_211, %dma_start3A_212, %dma_start3A_213] : memref<5x80x32xf32, #tpu.memory_space<vmem>> -> memref<1x80x32xf32, #tpu.memory_space<vmem>>
        %dma_start3A_215 = tpu.memref_squeeze %dma_start3A_214 : memref<1x80x32xf32, #tpu.memory_space<vmem>> -> memref<80x32xf32, #tpu.memory_space<vmem>>
        %dma_start3A_216 = tpu.memref_slice %arg8[%mul3A_210] : memref<2000xi32, #tpu.memory_space<vmem>> -> memref<80xi32, #tpu.memory_space<vmem>>
        %dma_start3A_217 = arith.constant 0 : i32
        %dma_start3A_218 = arith.constant 0 : i32
        %dma_start3A_219 = tpu.memref_slice %arg2[%dma_start3A_217, %dma_start3A_218] : memref<102400x32xf32, #tpu.memory_space<hbm>> -> memref<102400x32xf32, #tpu.memory_space<hbm>>
        tpu.enqueue_indirect_dma source(%dma_start3A_219 : memref<102400x32xf32, #tpu.memory_space<hbm>>) target(%dma_start3A_215 : memref<80x32xf32, #tpu.memory_space<vmem>>) offsets(%dma_start3A_216 : memref<80xi32, #tpu.memory_space<vmem>>) semaphore(%arg11 : memref<!tpu.dma_semaphore, #tpu.memory_space<semaphore_mem>>)
        %add3A_220 = arith.constant 1 : i32
        %add3A_221 = arith.addi %mul3A_188, %add3A_220 : i32
        %dma_wait3A_222 = arith.constant 1 : i32
        %dma_wait3A_223 = arith.constant 0 : i32
        %dma_wait3A_224 = arith.constant 0 : i32
        %dma_wait3A_225 = tpu.memref_slice %arg10[%dma_wait3A_222, %dma_wait3A_223, %dma_wait3A_224] : memref<5x80x32xf32, #tpu.memory_space<vmem>> -> memref<1x80x32xf32, #tpu.memory_space<vmem>>
        %dma_wait3A_226 = tpu.memref_squeeze %dma_wait3A_225 : memref<1x80x32xf32, #tpu.memory_space<vmem>> -> memref<80x32xf32, #tpu.memory_space<vmem>>
        %dma_wait3A_227 = arith.constant 0 : i32
        %dma_wait3A_228 = arith.constant 0 : i32
        %dma_wait3A_229 = tpu.memref_slice %arg2[%dma_wait3A_227, %dma_wait3A_228] : memref<102400x32xf32, #tpu.memory_space<hbm>> -> memref<80x32xf32, #tpu.memory_space<hbm>>
        %dma_wait3A_230 = arith.constant 0 : i32
        %dma_wait3A_231 = arith.constant 0 : i32
        %dma_wait3A_232 = tpu.memref_slice %arg10[%dma_wait3A_222, %dma_wait3A_230, %dma_wait3A_231] : memref<5x80x32xf32, #tpu.memory_space<vmem>> -> memref<1x80x32xf32, #tpu.memory_space<vmem>>
        %dma_wait3A_233 = tpu.memref_squeeze %dma_wait3A_232 : memref<1x80x32xf32, #tpu.memory_space<vmem>> -> memref<80x32xf32, #tpu.memory_space<vmem>>
        %dma_wait3A_234 = arith.constant 0 : i32
        %dma_wait3A_235 = arith.constant 0 : i32
        %dma_wait3A_236 = tpu.memref_slice %arg2[%dma_wait3A_234, %dma_wait3A_235] : memref<102400x32xf32, #tpu.memory_space<hbm>> -> memref<80x32xf32, #tpu.memory_space<hbm>>
        tpu.wait_dma2 semaphore(%arg12 : memref<!tpu.dma_semaphore, #tpu.memory_space<semaphore_mem>>) src(%dma_wait3A_236 : memref<80x32xf32, #tpu.memory_space<hbm>>) dst(%dma_wait3A_233 : memref<80x32xf32, #tpu.memory_space<vmem>>)
        %run_scoped3A_237 = arith.constant 1 : i32
        "tpu.region"() ({
          %run_scoped3A_345 = tpu.sem_alloc : memref<!tpu.dma_semaphore, #tpu.memory_space<semaphore_mem>>
          %dma_start3A_346 = arith.constant 0 : i32
          %dma_start3A_347 = arith.constant 0 : i32
          %dma_start3A_348 = tpu.memref_slice %arg10[%run_scoped3A_237, %dma_start3A_346, %dma_start3A_347] : memref<5x80x32xf32, #tpu.memory_space<vmem>> -> memref<1x80x32xf32, #tpu.memory_space<vmem>>
          %dma_start3A_349 = tpu.memref_squeeze %dma_start3A_348 : memref<1x80x32xf32, #tpu.memory_space<vmem>> -> memref<80x32xf32, #tpu.memory_space<vmem>>
          %dma_start3A_350 = arith.constant 0 : i32
          %dma_start3A_351 = tpu.memref_slice %arg9[%add3A_221, %dma_start3A_350] : memref<25x80xi32, #tpu.memory_space<vmem>> -> memref<1x80xi32, #tpu.memory_space<vmem>>
          %dma_start3A_352 = tpu.memref_squeeze %dma_start3A_351 : memref<1x80xi32, #tpu.memory_space<vmem>> -> memref<80xi32, #tpu.memory_space<vmem>>
          %dma_start3A_353 = arith.constant 0 : i32
          %dma_start3A_354 = arith.constant 0 : i32
          %dma_start3A_355 = tpu.memref_slice %arg6[%dma_start3A_353, %dma_start3A_354] : memref<51200x32xf32, #tpu.memory_space<vmem_shared>> -> memref<51200x32xf32, #tpu.memory_space<vmem_shared>>
          tpu.enqueue_indirect_dma source(%dma_start3A_349 : memref<80x32xf32, #tpu.memory_space<vmem>>) target(%dma_start3A_355 : memref<51200x32xf32, #tpu.memory_space<vmem_shared>>) offsets(%dma_start3A_352 : memref<80xi32, #tpu.memory_space<vmem>>) semaphore(%run_scoped3A_345 : memref<!tpu.dma_semaphore, #tpu.memory_space<semaphore_mem>>) {add = true}
          %dma_wait3A_356 = arith.constant 0 : i32
          %dma_wait3A_357 = arith.constant 0 : i32
          %dma_wait3A_358 = tpu.memref_slice %arg10[%run_scoped3A_237, %dma_wait3A_356, %dma_wait3A_357] : memref<5x80x32xf32, #tpu.memory_space<vmem>> -> memref<1x80x32xf32, #tpu.memory_space<vmem>>
          %dma_wait3A_359 = tpu.memref_squeeze %dma_wait3A_358 : memref<1x80x32xf32, #tpu.memory_space<vmem>> -> memref<80x32xf32, #tpu.memory_space<vmem>>
          %dma_wait3A_360 = arith.constant 0 : i32
          %dma_wait3A_361 = tpu.memref_slice %arg9[%add3A_221, %dma_wait3A_360] : memref<25x80xi32, #tpu.memory_space<vmem>> -> memref<1x80xi32, #tpu.memory_space<vmem>>
          %dma_wait3A_362 = tpu.memref_squeeze %dma_wait3A_361 : memref<1x80xi32, #tpu.memory_space<vmem>> -> memref<80xi32, #tpu.memory_space<vmem>>
          %dma_wait3A_363 = arith.constant 0 : i32
          %dma_wait3A_364 = arith.constant 0 : i32
          %dma_wait3A_365 = tpu.memref_slice %arg6[%dma_wait3A_363, %dma_wait3A_364] : memref<51200x32xf32, #tpu.memory_space<vmem_shared>> -> memref<51200x32xf32, #tpu.memory_space<vmem_shared>>
          tpu.wait_indirect_dma semaphore(%run_scoped3A_345 : memref<!tpu.dma_semaphore, #tpu.memory_space<semaphore_mem>>) src(%dma_wait3A_359 : memref<80x32xf32, #tpu.memory_space<vmem>>) dst(%dma_wait3A_365 : memref<51200x32xf32, #tpu.memory_space<vmem_shared>>)
          tpu.yield
        }) : () -> ()
        %add3A_238 = arith.constant 5 : i32
        %add3A_239 = arith.addi %add3A_221, %add3A_238 : i32
        %mul3A_240 = arith.constant 80 : i32
        %mul3A_241 = arith.muli %add3A_239, %mul3A_240 : i32
        %dma_start3A_242 = arith.constant 1 : i32
        %dma_start3A_243 = arith.constant 0 : i32
        %dma_start3A_244 = arith.constant 0 : i32
        %dma_start3A_245 = tpu.memref_slice %arg10[%dma_start3A_242, %dma_start3A_243, %dma_start3A_244] : memref<5x80x32xf32, #tpu.memory_space<vmem>> -> memref<1x80x32xf32, #tpu.memory_space<vmem>>
        %dma_start3A_246 = tpu.memref_squeeze %dma_start3A_245 : memref<1x80x32xf32, #tpu.memory_space<vmem>> -> memref<80x32xf32, #tpu.memory_space<vmem>>
        %dma_start3A_247 = tpu.memref_slice %arg8[%mul3A_241] : memref<2000xi32, #tpu.memory_space<vmem>> -> memref<80xi32, #tpu.memory_space<vmem>>
        %dma_start3A_248 = arith.constant 0 : i32
        %dma_start3A_249 = arith.constant 0 : i32
        %dma_start3A_250 = tpu.memref_slice %arg2[%dma_start3A_248, %dma_start3A_249] : memref<102400x32xf32, #tpu.memory_space<hbm>> -> memref<102400x32xf32, #tpu.memory_space<hbm>>
        tpu.enqueue_indirect_dma source(%dma_start3A_250 : memref<102400x32xf32, #tpu.memory_space<hbm>>) target(%dma_start3A_246 : memref<80x32xf32, #tpu.memory_space<vmem>>) offsets(%dma_start3A_247 : memref<80xi32, #tpu.memory_space<vmem>>) semaphore(%arg12 : memref<!tpu.dma_semaphore, #tpu.memory_space<semaphore_mem>>)
        %add3A_251 = arith.constant 2 : i32
        %add3A_252 = arith.addi %mul3A_188, %add3A_251 : i32
        %dma_wait3A_253 = arith.constant 2 : i32
        %dma_wait3A_254 = arith.constant 0 : i32
        %dma_wait3A_255 = arith.constant 0 : i32
        %dma_wait3A_256 = tpu.memref_slice %arg10[%dma_wait3A_253, %dma_wait3A_254, %dma_wait3A_255] : memref<5x80x32xf32, #tpu.memory_space<vmem>> -> memref<1x80x32xf32, #tpu.memory_space<vmem>>
        %dma_wait3A_257 = tpu.memref_squeeze %dma_wait3A_256 : memref<1x80x32xf32, #tpu.memory_space<vmem>> -> memref<80x32xf32, #tpu.memory_space<vmem>>
        %dma_wait3A_258 = arith.constant 0 : i32
        %dma_wait3A_259 = arith.constant 0 : i32
        %dma_wait3A_260 = tpu.memref_slice %arg2[%dma_wait3A_258, %dma_wait3A_259] : memref<102400x32xf32, #tpu.memory_space<hbm>> -> memref<80x32xf32, #tpu.memory_space<hbm>>
        %dma_wait3A_261 = arith.constant 0 : i32
        %dma_wait3A_262 = arith.constant 0 : i32
        %dma_wait3A_263 = tpu.memref_slice %arg10[%dma_wait3A_253, %dma_wait3A_261, %dma_wait3A_262] : memref<5x80x32xf32, #tpu.memory_space<vmem>> -> memref<1x80x32xf32, #tpu.memory_space<vmem>>
        %dma_wait3A_264 = tpu.memref_squeeze %dma_wait3A_263 : memref<1x80x32xf32, #tpu.memory_space<vmem>> -> memref<80x32xf32, #tpu.memory_space<vmem>>
        %dma_wait3A_265 = arith.constant 0 : i32
        %dma_wait3A_266 = arith.constant 0 : i32
        %dma_wait3A_267 = tpu.memref_slice %arg2[%dma_wait3A_265, %dma_wait3A_266] : memref<102400x32xf32, #tpu.memory_space<hbm>> -> memref<80x32xf32, #tpu.memory_space<hbm>>
        tpu.wait_dma2 semaphore(%arg13 : memref<!tpu.dma_semaphore, #tpu.memory_space<semaphore_mem>>) src(%dma_wait3A_267 : memref<80x32xf32, #tpu.memory_space<hbm>>) dst(%dma_wait3A_264 : memref<80x32xf32, #tpu.memory_space<vmem>>)
        %run_scoped3A_268 = arith.constant 2 : i32
        "tpu.region"() ({
          %run_scoped3A_345 = tpu.sem_alloc : memref<!tpu.dma_semaphore, #tpu.memory_space<semaphore_mem>>
          %dma_start3A_346 = arith.constant 0 : i32
          %dma_start3A_347 = arith.constant 0 : i32
          %dma_start3A_348 = tpu.memref_slice %arg10[%run_scoped3A_268, %dma_start3A_346, %dma_start3A_347] : memref<5x80x32xf32, #tpu.memory_space<vmem>> -> memref<1x80x32xf32, #tpu.memory_space<vmem>>
          %dma_start3A_349 = tpu.memref_squeeze %dma_start3A_348 : memref<1x80x32xf32, #tpu.memory_space<vmem>> -> memref<80x32xf32, #tpu.memory_space<vmem>>
          %dma_start3A_350 = arith.constant 0 : i32
          %dma_start3A_351 = tpu.memref_slice %arg9[%add3A_252, %dma_start3A_350] : memref<25x80xi32, #tpu.memory_space<vmem>> -> memref<1x80xi32, #tpu.memory_space<vmem>>
          %dma_start3A_352 = tpu.memref_squeeze %dma_start3A_351 : memref<1x80xi32, #tpu.memory_space<vmem>> -> memref<80xi32, #tpu.memory_space<vmem>>
          %dma_start3A_353 = arith.constant 0 : i32
          %dma_start3A_354 = arith.constant 0 : i32
          %dma_start3A_355 = tpu.memref_slice %arg6[%dma_start3A_353, %dma_start3A_354] : memref<51200x32xf32, #tpu.memory_space<vmem_shared>> -> memref<51200x32xf32, #tpu.memory_space<vmem_shared>>
          tpu.enqueue_indirect_dma source(%dma_start3A_349 : memref<80x32xf32, #tpu.memory_space<vmem>>) target(%dma_start3A_355 : memref<51200x32xf32, #tpu.memory_space<vmem_shared>>) offsets(%dma_start3A_352 : memref<80xi32, #tpu.memory_space<vmem>>) semaphore(%run_scoped3A_345 : memref<!tpu.dma_semaphore, #tpu.memory_space<semaphore_mem>>) {add = true}
          %dma_wait3A_356 = arith.constant 0 : i32
          %dma_wait3A_357 = arith.constant 0 : i32
          %dma_wait3A_358 = tpu.memref_slice %arg10[%run_scoped3A_268, %dma_wait3A_356, %dma_wait3A_357] : memref<5x80x32xf32, #tpu.memory_space<vmem>> -> memref<1x80x32xf32, #tpu.memory_space<vmem>>
          %dma_wait3A_359 = tpu.memref_squeeze %dma_wait3A_358 : memref<1x80x32xf32, #tpu.memory_space<vmem>> -> memref<80x32xf32, #tpu.memory_space<vmem>>
          %dma_wait3A_360 = arith.constant 0 : i32
          %dma_wait3A_361 = tpu.memref_slice %arg9[%add3A_252, %dma_wait3A_360] : memref<25x80xi32, #tpu.memory_space<vmem>> -> memref<1x80xi32, #tpu.memory_space<vmem>>
          %dma_wait3A_362 = tpu.memref_squeeze %dma_wait3A_361 : memref<1x80xi32, #tpu.memory_space<vmem>> -> memref<80xi32, #tpu.memory_space<vmem>>
          %dma_wait3A_363 = arith.constant 0 : i32
          %dma_wait3A_364 = arith.constant 0 : i32
          %dma_wait3A_365 = tpu.memref_slice %arg6[%dma_wait3A_363, %dma_wait3A_364] : memref<51200x32xf32, #tpu.memory_space<vmem_shared>> -> memref<51200x32xf32, #tpu.memory_space<vmem_shared>>
          tpu.wait_indirect_dma semaphore(%run_scoped3A_345 : memref<!tpu.dma_semaphore, #tpu.memory_space<semaphore_mem>>) src(%dma_wait3A_359 : memref<80x32xf32, #tpu.memory_space<vmem>>) dst(%dma_wait3A_365 : memref<51200x32xf32, #tpu.memory_space<vmem_shared>>)
          tpu.yield
        }) : () -> ()
        %add3A_269 = arith.constant 5 : i32
        %add3A_270 = arith.addi %add3A_252, %add3A_269 : i32
        %mul3A_271 = arith.constant 80 : i32
        %mul3A_272 = arith.muli %add3A_270, %mul3A_271 : i32
        %dma_start3A_273 = arith.constant 2 : i32
        %dma_start3A_274 = arith.constant 0 : i32
        %dma_start3A_275 = arith.constant 0 : i32
        %dma_start3A_276 = tpu.memref_slice %arg10[%dma_start3A_273, %dma_start3A_274, %dma_start3A_275] : memref<5x80x32xf32, #tpu.memory_space<vmem>> -> memref<1x80x32xf32, #tpu.memory_space<vmem>>
        %dma_start3A_277 = tpu.memref_squeeze %dma_start3A_276 : memref<1x80x32xf32, #tpu.memory_space<vmem>> -> memref<80x32xf32, #tpu.memory_space<vmem>>
        %dma_start3A_278 = tpu.memref_slice %arg8[%mul3A_272] : memref<2000xi32, #tpu.memory_space<vmem>> -> memref<80xi32, #tpu.memory_space<vmem>>
        %dma_start3A_279 = arith.constant 0 : i32
        %dma_start3A_280 = arith.constant 0 : i32
        %dma_start3A_281 = tpu.memref_slice %arg2[%dma_start3A_279, %dma_start3A_280] : memref<102400x32xf32, #tpu.memory_space<hbm>> -> memref<102400x32xf32, #tpu.memory_space<hbm>>
        tpu.enqueue_indirect_dma source(%dma_start3A_281 : memref<102400x32xf32, #tpu.memory_space<hbm>>) target(%dma_start3A_277 : memref<80x32xf32, #tpu.memory_space<vmem>>) offsets(%dma_start3A_278 : memref<80xi32, #tpu.memory_space<vmem>>) semaphore(%arg13 : memref<!tpu.dma_semaphore, #tpu.memory_space<semaphore_mem>>)
        %add3A_282 = arith.constant 3 : i32
        %add3A_283 = arith.addi %mul3A_188, %add3A_282 : i32
        %dma_wait3A_284 = arith.constant 3 : i32
        %dma_wait3A_285 = arith.constant 0 : i32
        %dma_wait3A_286 = arith.constant 0 : i32
        %dma_wait3A_287 = tpu.memref_slice %arg10[%dma_wait3A_284, %dma_wait3A_285, %dma_wait3A_286] : memref<5x80x32xf32, #tpu.memory_space<vmem>> -> memref<1x80x32xf32, #tpu.memory_space<vmem>>
        %dma_wait3A_288 = tpu.memref_squeeze %dma_wait3A_287 : memref<1x80x32xf32, #tpu.memory_space<vmem>> -> memref<80x32xf32, #tpu.memory_space<vmem>>
        %dma_wait3A_289 = arith.constant 0 : i32
        %dma_wait3A_290 = arith.constant 0 : i32
        %dma_wait3A_291 = tpu.memref_slice %arg2[%dma_wait3A_289, %dma_wait3A_290] : memref<102400x32xf32, #tpu.memory_space<hbm>> -> memref<80x32xf32, #tpu.memory_space<hbm>>
        %dma_wait3A_292 = arith.constant 0 : i32
        %dma_wait3A_293 = arith.constant 0 : i32
        %dma_wait3A_294 = tpu.memref_slice %arg10[%dma_wait3A_284, %dma_wait3A_292, %dma_wait3A_293] : memref<5x80x32xf32, #tpu.memory_space<vmem>> -> memref<1x80x32xf32, #tpu.memory_space<vmem>>
        %dma_wait3A_295 = tpu.memref_squeeze %dma_wait3A_294 : memref<1x80x32xf32, #tpu.memory_space<vmem>> -> memref<80x32xf32, #tpu.memory_space<vmem>>
        %dma_wait3A_296 = arith.constant 0 : i32
        %dma_wait3A_297 = arith.constant 0 : i32
        %dma_wait3A_298 = tpu.memref_slice %arg2[%dma_wait3A_296, %dma_wait3A_297] : memref<102400x32xf32, #tpu.memory_space<hbm>> -> memref<80x32xf32, #tpu.memory_space<hbm>>
        tpu.wait_dma2 semaphore(%arg14 : memref<!tpu.dma_semaphore, #tpu.memory_space<semaphore_mem>>) src(%dma_wait3A_298 : memref<80x32xf32, #tpu.memory_space<hbm>>) dst(%dma_wait3A_295 : memref<80x32xf32, #tpu.memory_space<vmem>>)
        %run_scoped3A_299 = arith.constant 3 : i32
        "tpu.region"() ({
          %run_scoped3A_345 = tpu.sem_alloc : memref<!tpu.dma_semaphore, #tpu.memory_space<semaphore_mem>>
          %dma_start3A_346 = arith.constant 0 : i32
          %dma_start3A_347 = arith.constant 0 : i32
          %dma_start3A_348 = tpu.memref_slice %arg10[%run_scoped3A_299, %dma_start3A_346, %dma_start3A_347] : memref<5x80x32xf32, #tpu.memory_space<vmem>> -> memref<1x80x32xf32, #tpu.memory_space<vmem>>
          %dma_start3A_349 = tpu.memref_squeeze %dma_start3A_348 : memref<1x80x32xf32, #tpu.memory_space<vmem>> -> memref<80x32xf32, #tpu.memory_space<vmem>>
          %dma_start3A_350 = arith.constant 0 : i32
          %dma_start3A_351 = tpu.memref_slice %arg9[%add3A_283, %dma_start3A_350] : memref<25x80xi32, #tpu.memory_space<vmem>> -> memref<1x80xi32, #tpu.memory_space<vmem>>
          %dma_start3A_352 = tpu.memref_squeeze %dma_start3A_351 : memref<1x80xi32, #tpu.memory_space<vmem>> -> memref<80xi32, #tpu.memory_space<vmem>>
          %dma_start3A_353 = arith.constant 0 : i32
          %dma_start3A_354 = arith.constant 0 : i32
          %dma_start3A_355 = tpu.memref_slice %arg6[%dma_start3A_353, %dma_start3A_354] : memref<51200x32xf32, #tpu.memory_space<vmem_shared>> -> memref<51200x32xf32, #tpu.memory_space<vmem_shared>>
          tpu.enqueue_indirect_dma source(%dma_start3A_349 : memref<80x32xf32, #tpu.memory_space<vmem>>) target(%dma_start3A_355 : memref<51200x32xf32, #tpu.memory_space<vmem_shared>>) offsets(%dma_start3A_352 : memref<80xi32, #tpu.memory_space<vmem>>) semaphore(%run_scoped3A_345 : memref<!tpu.dma_semaphore, #tpu.memory_space<semaphore_mem>>) {add = true}
          %dma_wait3A_356 = arith.constant 0 : i32
          %dma_wait3A_357 = arith.constant 0 : i32
          %dma_wait3A_358 = tpu.memref_slice %arg10[%run_scoped3A_299, %dma_wait3A_356, %dma_wait3A_357] : memref<5x80x32xf32, #tpu.memory_space<vmem>> -> memref<1x80x32xf32, #tpu.memory_space<vmem>>
          %dma_wait3A_359 = tpu.memref_squeeze %dma_wait3A_358 : memref<1x80x32xf32, #tpu.memory_space<vmem>> -> memref<80x32xf32, #tpu.memory_space<vmem>>
          %dma_wait3A_360 = arith.constant 0 : i32
          %dma_wait3A_361 = tpu.memref_slice %arg9[%add3A_283, %dma_wait3A_360] : memref<25x80xi32, #tpu.memory_space<vmem>> -> memref<1x80xi32, #tpu.memory_space<vmem>>
          %dma_wait3A_362 = tpu.memref_squeeze %dma_wait3A_361 : memref<1x80xi32, #tpu.memory_space<vmem>> -> memref<80xi32, #tpu.memory_space<vmem>>
          %dma_wait3A_363 = arith.constant 0 : i32
          %dma_wait3A_364 = arith.constant 0 : i32
          %dma_wait3A_365 = tpu.memref_slice %arg6[%dma_wait3A_363, %dma_wait3A_364] : memref<51200x32xf32, #tpu.memory_space<vmem_shared>> -> memref<51200x32xf32, #tpu.memory_space<vmem_shared>>
          tpu.wait_indirect_dma semaphore(%run_scoped3A_345 : memref<!tpu.dma_semaphore, #tpu.memory_space<semaphore_mem>>) src(%dma_wait3A_359 : memref<80x32xf32, #tpu.memory_space<vmem>>) dst(%dma_wait3A_365 : memref<51200x32xf32, #tpu.memory_space<vmem_shared>>)
          tpu.yield
        }) : () -> ()
        %add3A_300 = arith.constant 5 : i32
        %add3A_301 = arith.addi %add3A_283, %add3A_300 : i32
        %mul3A_302 = arith.constant 80 : i32
        %mul3A_303 = arith.muli %add3A_301, %mul3A_302 : i32
        %dma_start3A_304 = arith.constant 3 : i32
        %dma_start3A_305 = arith.constant 0 : i32
        %dma_start3A_306 = arith.constant 0 : i32
        %dma_start3A_307 = tpu.memref_slice %arg10[%dma_start3A_304, %dma_start3A_305, %dma_start3A_306] : memref<5x80x32xf32, #tpu.memory_space<vmem>> -> memref<1x80x32xf32, #tpu.memory_space<vmem>>
        %dma_start3A_308 = tpu.memref_squeeze %dma_start3A_307 : memref<1x80x32xf32, #tpu.memory_space<vmem>> -> memref<80x32xf32, #tpu.memory_space<vmem>>
        %dma_start3A_309 = tpu.memref_slice %arg8[%mul3A_303] : memref<2000xi32, #tpu.memory_space<vmem>> -> memref<80xi32, #tpu.memory_space<vmem>>
        %dma_start3A_310 = arith.constant 0 : i32
        %dma_start3A_311 = arith.constant 0 : i32
        %dma_start3A_312 = tpu.memref_slice %arg2[%dma_start3A_310, %dma_start3A_311] : memref<102400x32xf32, #tpu.memory_space<hbm>> -> memref<102400x32xf32, #tpu.memory_space<hbm>>
        tpu.enqueue_indirect_dma source(%dma_start3A_312 : memref<102400x32xf32, #tpu.memory_space<hbm>>) target(%dma_start3A_308 : memref<80x32xf32, #tpu.memory_space<vmem>>) offsets(%dma_start3A_309 : memref<80xi32, #tpu.memory_space<vmem>>) semaphore(%arg14 : memref<!tpu.dma_semaphore, #tpu.memory_space<semaphore_mem>>)
        %add3A_313 = arith.constant 4 : i32
        %add3A_314 = arith.addi %mul3A_188, %add3A_313 : i32
        %dma_wait3A_315 = arith.constant 4 : i32
        %dma_wait3A_316 = arith.constant 0 : i32
        %dma_wait3A_317 = arith.constant 0 : i32
        %dma_wait3A_318 = tpu.memref_slice %arg10[%dma_wait3A_315, %dma_wait3A_316, %dma_wait3A_317] : memref<5x80x32xf32, #tpu.memory_space<vmem>> -> memref<1x80x32xf32, #tpu.memory_space<vmem>>
        %dma_wait3A_319 = tpu.memref_squeeze %dma_wait3A_318 : memref<1x80x32xf32, #tpu.memory_space<vmem>> -> memref<80x32xf32, #tpu.memory_space<vmem>>
        %dma_wait3A_320 = arith.constant 0 : i32
        %dma_wait3A_321 = arith.constant 0 : i32
        %dma_wait3A_322 = tpu.memref_slice %arg2[%dma_wait3A_320, %dma_wait3A_321] : memref<102400x32xf32, #tpu.memory_space<hbm>> -> memref<80x32xf32, #tpu.memory_space<hbm>>
        %dma_wait3A_323 = arith.constant 0 : i32
        %dma_wait3A_324 = arith.constant 0 : i32
        %dma_wait3A_325 = tpu.memref_slice %arg10[%dma_wait3A_315, %dma_wait3A_323, %dma_wait3A_324] : memref<5x80x32xf32, #tpu.memory_space<vmem>> -> memref<1x80x32xf32, #tpu.memory_space<vmem>>
        %dma_wait3A_326 = tpu.memref_squeeze %dma_wait3A_325 : memref<1x80x32xf32, #tpu.memory_space<vmem>> -> memref<80x32xf32, #tpu.memory_space<vmem>>
        %dma_wait3A_327 = arith.constant 0 : i32
        %dma_wait3A_328 = arith.constant 0 : i32
        %dma_wait3A_329 = tpu.memref_slice %arg2[%dma_wait3A_327, %dma_wait3A_328] : memref<102400x32xf32, #tpu.memory_space<hbm>> -> memref<80x32xf32, #tpu.memory_space<hbm>>
        tpu.wait_dma2 semaphore(%arg15 : memref<!tpu.dma_semaphore, #tpu.memory_space<semaphore_mem>>) src(%dma_wait3A_329 : memref<80x32xf32, #tpu.memory_space<hbm>>) dst(%dma_wait3A_326 : memref<80x32xf32, #tpu.memory_space<vmem>>)
        %run_scoped3A_330 = arith.constant 4 : i32
        "tpu.region"() ({
          %run_scoped3A_345 = tpu.sem_alloc : memref<!tpu.dma_semaphore, #tpu.memory_space<semaphore_mem>>
          %dma_start3A_346 = arith.constant 0 : i32
          %dma_start3A_347 = arith.constant 0 : i32
          %dma_start3A_348 = tpu.memref_slice %arg10[%run_scoped3A_330, %dma_start3A_346, %dma_start3A_347] : memref<5x80x32xf32, #tpu.memory_space<vmem>> -> memref<1x80x32xf32, #tpu.memory_space<vmem>>
          %dma_start3A_349 = tpu.memref_squeeze %dma_start3A_348 : memref<1x80x32xf32, #tpu.memory_space<vmem>> -> memref<80x32xf32, #tpu.memory_space<vmem>>
          %dma_start3A_350 = arith.constant 0 : i32
          %dma_start3A_351 = tpu.memref_slice %arg9[%add3A_314, %dma_start3A_350] : memref<25x80xi32, #tpu.memory_space<vmem>> -> memref<1x80xi32, #tpu.memory_space<vmem>>
          %dma_start3A_352 = tpu.memref_squeeze %dma_start3A_351 : memref<1x80xi32, #tpu.memory_space<vmem>> -> memref<80xi32, #tpu.memory_space<vmem>>
          %dma_start3A_353 = arith.constant 0 : i32
          %dma_start3A_354 = arith.constant 0 : i32
          %dma_start3A_355 = tpu.memref_slice %arg6[%dma_start3A_353, %dma_start3A_354] : memref<51200x32xf32, #tpu.memory_space<vmem_shared>> -> memref<51200x32xf32, #tpu.memory_space<vmem_shared>>
          tpu.enqueue_indirect_dma source(%dma_start3A_349 : memref<80x32xf32, #tpu.memory_space<vmem>>) target(%dma_start3A_355 : memref<51200x32xf32, #tpu.memory_space<vmem_shared>>) offsets(%dma_start3A_352 : memref<80xi32, #tpu.memory_space<vmem>>) semaphore(%run_scoped3A_345 : memref<!tpu.dma_semaphore, #tpu.memory_space<semaphore_mem>>) {add = true}
          %dma_wait3A_356 = arith.constant 0 : i32
          %dma_wait3A_357 = arith.constant 0 : i32
          %dma_wait3A_358 = tpu.memref_slice %arg10[%run_scoped3A_330, %dma_wait3A_356, %dma_wait3A_357] : memref<5x80x32xf32, #tpu.memory_space<vmem>> -> memref<1x80x32xf32, #tpu.memory_space<vmem>>
          %dma_wait3A_359 = tpu.memref_squeeze %dma_wait3A_358 : memref<1x80x32xf32, #tpu.memory_space<vmem>> -> memref<80x32xf32, #tpu.memory_space<vmem>>
          %dma_wait3A_360 = arith.constant 0 : i32
          %dma_wait3A_361 = tpu.memref_slice %arg9[%add3A_314, %dma_wait3A_360] : memref<25x80xi32, #tpu.memory_space<vmem>> -> memref<1x80xi32, #tpu.memory_space<vmem>>
          %dma_wait3A_362 = tpu.memref_squeeze %dma_wait3A_361 : memref<1x80xi32, #tpu.memory_space<vmem>> -> memref<80xi32, #tpu.memory_space<vmem>>
          %dma_wait3A_363 = arith.constant 0 : i32
          %dma_wait3A_364 = arith.constant 0 : i32
          %dma_wait3A_365 = tpu.memref_slice %arg6[%dma_wait3A_363, %dma_wait3A_364] : memref<51200x32xf32, #tpu.memory_space<vmem_shared>> -> memref<51200x32xf32, #tpu.memory_space<vmem_shared>>
          tpu.wait_indirect_dma semaphore(%run_scoped3A_345 : memref<!tpu.dma_semaphore, #tpu.memory_space<semaphore_mem>>) src(%dma_wait3A_359 : memref<80x32xf32, #tpu.memory_space<vmem>>) dst(%dma_wait3A_365 : memref<51200x32xf32, #tpu.memory_space<vmem_shared>>)
          tpu.yield
        }) : () -> ()
        %add3A_331 = arith.constant 5 : i32
        %add3A_332 = arith.addi %add3A_314, %add3A_331 : i32
        %mul3A_333 = arith.constant 80 : i32
        %mul3A_334 = arith.muli %add3A_332, %mul3A_333 : i32
        %dma_start3A_335 = arith.constant 4 : i32
        %dma_start3A_336 = arith.constant 0 : i32
        %dma_start3A_337 = arith.constant 0 : i32
        %dma_start3A_338 = tpu.memref_slice %arg10[%dma_start3A_335, %dma_start3A_336, %dma_start3A_337] : memref<5x80x32xf32, #tpu.memory_space<vmem>> -> memref<1x80x32xf32, #tpu.memory_space<vmem>>
        %dma_start3A_339 = tpu.memref_squeeze %dma_start3A_338 : memref<1x80x32xf32, #tpu.memory_space<vmem>> -> memref<80x32xf32, #tpu.memory_space<vmem>>
        %dma_start3A_340 = tpu.memref_slice %arg8[%mul3A_334] : memref<2000xi32, #tpu.memory_space<vmem>> -> memref<80xi32, #tpu.memory_space<vmem>>
        %dma_start3A_341 = arith.constant 0 : i32
        %dma_start3A_342 = arith.constant 0 : i32
        %dma_start3A_343 = tpu.memref_slice %arg2[%dma_start3A_341, %dma_start3A_342] : memref<102400x32xf32, #tpu.memory_space<hbm>> -> memref<102400x32xf32, #tpu.memory_space<hbm>>
        tpu.enqueue_indirect_dma source(%dma_start3A_343 : memref<102400x32xf32, #tpu.memory_space<hbm>>) target(%dma_start3A_339 : memref<80x32xf32, #tpu.memory_space<vmem>>) offsets(%dma_start3A_340 : memref<80xi32, #tpu.memory_space<vmem>>) semaphore(%arg15 : memref<!tpu.dma_semaphore, #tpu.memory_space<semaphore_mem>>)
        %scan3A_344 = arith.constant 0 : i32
        scf.yield %scan3A_344 : i32
      }
      %scan3A_100 = arith.constant 4 : i32
      %dma_wait3A = arith.constant 0 : i32
      %dma_wait3A_101 = arith.constant 0 : i32
      %dma_wait3A_102 = arith.constant 0 : i32
      %dma_wait3A_103 = tpu.memref_slice %arg10[%dma_wait3A, %dma_wait3A_101, %dma_wait3A_102] : memref<5x80x32xf32, #tpu.memory_space<vmem>> -> memref<1x80x32xf32, #tpu.memory_space<vmem>>
      %dma_wait3A_104 = tpu.memref_squeeze %dma_wait3A_103 : memref<1x80x32xf32, #tpu.memory_space<vmem>> -> memref<80x32xf32, #tpu.memory_space<vmem>>
      %dma_wait3A_105 = arith.constant 0 : i32
      %dma_wait3A_106 = arith.constant 0 : i32
      %dma_wait3A_107 = tpu.memref_slice %arg2[%dma_wait3A_105, %dma_wait3A_106] : memref<102400x32xf32, #tpu.memory_space<hbm>> -> memref<80x32xf32, #tpu.memory_space<hbm>>
      %dma_wait3A_108 = arith.constant 0 : i32
      %dma_wait3A_109 = arith.constant 0 : i32
      %dma_wait3A_110 = tpu.memref_slice %arg10[%dma_wait3A, %dma_wait3A_108, %dma_wait3A_109] : memref<5x80x32xf32, #tpu.memory_space<vmem>> -> memref<1x80x32xf32, #tpu.memory_space<vmem>>
      %dma_wait3A_111 = tpu.memref_squeeze %dma_wait3A_110 : memref<1x80x32xf32, #tpu.memory_space<vmem>> -> memref<80x32xf32, #tpu.memory_space<vmem>>
      %dma_wait3A_112 = arith.constant 0 : i32
      %dma_wait3A_113 = arith.constant 0 : i32
      %dma_wait3A_114 = tpu.memref_slice %arg2[%dma_wait3A_112, %dma_wait3A_113] : memref<102400x32xf32, #tpu.memory_space<hbm>> -> memref<80x32xf32, #tpu.memory_space<hbm>>
      tpu.wait_dma2 semaphore(%arg11 : memref<!tpu.dma_semaphore, #tpu.memory_space<semaphore_mem>>) src(%dma_wait3A_114 : memref<80x32xf32, #tpu.memory_space<hbm>>) dst(%dma_wait3A_111 : memref<80x32xf32, #tpu.memory_space<vmem>>)
      %run_scoped3A = arith.constant 0 : i32
      %run_scoped3A_115 = arith.constant 20 : i32
      "tpu.region"() ({
        %run_scoped3A_185 = tpu.sem_alloc : memref<!tpu.dma_semaphore, #tpu.memory_space<semaphore_mem>>
        %dma_start3A_186 = arith.constant 0 : i32
        %dma_start3A_187 = arith.constant 0 : i32
        %dma_start3A_188 = tpu.memref_slice %arg10[%run_scoped3A, %dma_start3A_186, %dma_start3A_187] : memref<5x80x32xf32, #tpu.memory_space<vmem>> -> memref<1x80x32xf32, #tpu.memory_space<vmem>>
        %dma_start3A_189 = tpu.memref_squeeze %dma_start3A_188 : memref<1x80x32xf32, #tpu.memory_space<vmem>> -> memref<80x32xf32, #tpu.memory_space<vmem>>
        %dma_start3A_190 = arith.constant 0 : i32
        %dma_start3A_191 = tpu.memref_slice %arg9[%run_scoped3A_115, %dma_start3A_190] : memref<25x80xi32, #tpu.memory_space<vmem>> -> memref<1x80xi32, #tpu.memory_space<vmem>>
        %dma_start3A_192 = tpu.memref_squeeze %dma_start3A_191 : memref<1x80xi32, #tpu.memory_space<vmem>> -> memref<80xi32, #tpu.memory_space<vmem>>
        %dma_start3A_193 = arith.constant 0 : i32
        %dma_start3A_194 = arith.constant 0 : i32
        %dma_start3A_195 = tpu.memref_slice %arg6[%dma_start3A_193, %dma_start3A_194] : memref<51200x32xf32, #tpu.memory_space<vmem_shared>> -> memref<51200x32xf32, #tpu.memory_space<vmem_shared>>
        tpu.enqueue_indirect_dma source(%dma_start3A_189 : memref<80x32xf32, #tpu.memory_space<vmem>>) target(%dma_start3A_195 : memref<51200x32xf32, #tpu.memory_space<vmem_shared>>) offsets(%dma_start3A_192 : memref<80xi32, #tpu.memory_space<vmem>>) semaphore(%run_scoped3A_185 : memref<!tpu.dma_semaphore, #tpu.memory_space<semaphore_mem>>) {add = true}
        %dma_wait3A_196 = arith.constant 0 : i32
        %dma_wait3A_197 = arith.constant 0 : i32
        %dma_wait3A_198 = tpu.memref_slice %arg10[%run_scoped3A, %dma_wait3A_196, %dma_wait3A_197] : memref<5x80x32xf32, #tpu.memory_space<vmem>> -> memref<1x80x32xf32, #tpu.memory_space<vmem>>
        %dma_wait3A_199 = tpu.memref_squeeze %dma_wait3A_198 : memref<1x80x32xf32, #tpu.memory_space<vmem>> -> memref<80x32xf32, #tpu.memory_space<vmem>>
        %dma_wait3A_200 = arith.constant 0 : i32
        %dma_wait3A_201 = tpu.memref_slice %arg9[%run_scoped3A_115, %dma_wait3A_200] : memref<25x80xi32, #tpu.memory_space<vmem>> -> memref<1x80xi32, #tpu.memory_space<vmem>>
        %dma_wait3A_202 = tpu.memref_squeeze %dma_wait3A_201 : memref<1x80xi32, #tpu.memory_space<vmem>> -> memref<80xi32, #tpu.memory_space<vmem>>
        %dma_wait3A_203 = arith.constant 0 : i32
        %dma_wait3A_204 = arith.constant 0 : i32
        %dma_wait3A_205 = tpu.memref_slice %arg6[%dma_wait3A_203, %dma_wait3A_204] : memref<51200x32xf32, #tpu.memory_space<vmem_shared>> -> memref<51200x32xf32, #tpu.memory_space<vmem_shared>>
        tpu.wait_indirect_dma semaphore(%run_scoped3A_185 : memref<!tpu.dma_semaphore, #tpu.memory_space<semaphore_mem>>) src(%dma_wait3A_199 : memref<80x32xf32, #tpu.memory_space<vmem>>) dst(%dma_wait3A_205 : memref<51200x32xf32, #tpu.memory_space<vmem_shared>>)
        tpu.yield
      }) : () -> ()
      %dma_wait3A_116 = arith.constant 1 : i32
      %dma_wait3A_117 = arith.constant 0 : i32
      %dma_wait3A_118 = arith.constant 0 : i32
      %dma_wait3A_119 = tpu.memref_slice %arg10[%dma_wait3A_116, %dma_wait3A_117, %dma_wait3A_118] : memref<5x80x32xf32, #tpu.memory_space<vmem>> -> memref<1x80x32xf32, #tpu.memory_space<vmem>>
      %dma_wait3A_120 = tpu.memref_squeeze %dma_wait3A_119 : memref<1x80x32xf32, #tpu.memory_space<vmem>> -> memref<80x32xf32, #tpu.memory_space<vmem>>
      %dma_wait3A_121 = arith.constant 0 : i32
      %dma_wait3A_122 = arith.constant 0 : i32
      %dma_wait3A_123 = tpu.memref_slice %arg2[%dma_wait3A_121, %dma_wait3A_122] : memref<102400x32xf32, #tpu.memory_space<hbm>> -> memref<80x32xf32, #tpu.memory_space<hbm>>
      %dma_wait3A_124 = arith.constant 0 : i32
      %dma_wait3A_125 = arith.constant 0 : i32
      %dma_wait3A_126 = tpu.memref_slice %arg10[%dma_wait3A_116, %dma_wait3A_124, %dma_wait3A_125] : memref<5x80x32xf32, #tpu.memory_space<vmem>> -> memref<1x80x32xf32, #tpu.memory_space<vmem>>
      %dma_wait3A_127 = tpu.memref_squeeze %dma_wait3A_126 : memref<1x80x32xf32, #tpu.memory_space<vmem>> -> memref<80x32xf32, #tpu.memory_space<vmem>>
      %dma_wait3A_128 = arith.constant 0 : i32
      %dma_wait3A_129 = arith.constant 0 : i32
      %dma_wait3A_130 = tpu.memref_slice %arg2[%dma_wait3A_128, %dma_wait3A_129] : memref<102400x32xf32, #tpu.memory_space<hbm>> -> memref<80x32xf32, #tpu.memory_space<hbm>>
      tpu.wait_dma2 semaphore(%arg12 : memref<!tpu.dma_semaphore, #tpu.memory_space<semaphore_mem>>) src(%dma_wait3A_130 : memref<80x32xf32, #tpu.memory_space<hbm>>) dst(%dma_wait3A_127 : memref<80x32xf32, #tpu.memory_space<vmem>>)
      %run_scoped3A_131 = arith.constant 1 : i32
      %run_scoped3A_132 = arith.constant 21 : i32
      "tpu.region"() ({
        %run_scoped3A_185 = tpu.sem_alloc : memref<!tpu.dma_semaphore, #tpu.memory_space<semaphore_mem>>
        %dma_start3A_186 = arith.constant 0 : i32
        %dma_start3A_187 = arith.constant 0 : i32
        %dma_start3A_188 = tpu.memref_slice %arg10[%run_scoped3A_131, %dma_start3A_186, %dma_start3A_187] : memref<5x80x32xf32, #tpu.memory_space<vmem>> -> memref<1x80x32xf32, #tpu.memory_space<vmem>>
        %dma_start3A_189 = tpu.memref_squeeze %dma_start3A_188 : memref<1x80x32xf32, #tpu.memory_space<vmem>> -> memref<80x32xf32, #tpu.memory_space<vmem>>
        %dma_start3A_190 = arith.constant 0 : i32
        %dma_start3A_191 = tpu.memref_slice %arg9[%run_scoped3A_132, %dma_start3A_190] : memref<25x80xi32, #tpu.memory_space<vmem>> -> memref<1x80xi32, #tpu.memory_space<vmem>>
        %dma_start3A_192 = tpu.memref_squeeze %dma_start3A_191 : memref<1x80xi32, #tpu.memory_space<vmem>> -> memref<80xi32, #tpu.memory_space<vmem>>
        %dma_start3A_193 = arith.constant 0 : i32
        %dma_start3A_194 = arith.constant 0 : i32
        %dma_start3A_195 = tpu.memref_slice %arg6[%dma_start3A_193, %dma_start3A_194] : memref<51200x32xf32, #tpu.memory_space<vmem_shared>> -> memref<51200x32xf32, #tpu.memory_space<vmem_shared>>
        tpu.enqueue_indirect_dma source(%dma_start3A_189 : memref<80x32xf32, #tpu.memory_space<vmem>>) target(%dma_start3A_195 : memref<51200x32xf32, #tpu.memory_space<vmem_shared>>) offsets(%dma_start3A_192 : memref<80xi32, #tpu.memory_space<vmem>>) semaphore(%run_scoped3A_185 : memref<!tpu.dma_semaphore, #tpu.memory_space<semaphore_mem>>) {add = true}
        %dma_wait3A_196 = arith.constant 0 : i32
        %dma_wait3A_197 = arith.constant 0 : i32
        %dma_wait3A_198 = tpu.memref_slice %arg10[%run_scoped3A_131, %dma_wait3A_196, %dma_wait3A_197] : memref<5x80x32xf32, #tpu.memory_space<vmem>> -> memref<1x80x32xf32, #tpu.memory_space<vmem>>
        %dma_wait3A_199 = tpu.memref_squeeze %dma_wait3A_198 : memref<1x80x32xf32, #tpu.memory_space<vmem>> -> memref<80x32xf32, #tpu.memory_space<vmem>>
        %dma_wait3A_200 = arith.constant 0 : i32
        %dma_wait3A_201 = tpu.memref_slice %arg9[%run_scoped3A_132, %dma_wait3A_200] : memref<25x80xi32, #tpu.memory_space<vmem>> -> memref<1x80xi32, #tpu.memory_space<vmem>>
        %dma_wait3A_202 = tpu.memref_squeeze %dma_wait3A_201 : memref<1x80xi32, #tpu.memory_space<vmem>> -> memref<80xi32, #tpu.memory_space<vmem>>
        %dma_wait3A_203 = arith.constant 0 : i32
        %dma_wait3A_204 = arith.constant 0 : i32
        %dma_wait3A_205 = tpu.memref_slice %arg6[%dma_wait3A_203, %dma_wait3A_204] : memref<51200x32xf32, #tpu.memory_space<vmem_shared>> -> memref<51200x32xf32, #tpu.memory_space<vmem_shared>>
        tpu.wait_indirect_dma semaphore(%run_scoped3A_185 : memref<!tpu.dma_semaphore, #tpu.memory_space<semaphore_mem>>) src(%dma_wait3A_199 : memref<80x32xf32, #tpu.memory_space<vmem>>) dst(%dma_wait3A_205 : memref<51200x32xf32, #tpu.memory_space<vmem_shared>>)
        tpu.yield
      }) : () -> ()
      %dma_wait3A_133 = arith.constant 2 : i32
      %dma_wait3A_134 = arith.constant 0 : i32
      %dma_wait3A_135 = arith.constant 0 : i32
      %dma_wait3A_136 = tpu.memref_slice %arg10[%dma_wait3A_133, %dma_wait3A_134, %dma_wait3A_135] : memref<5x80x32xf32, #tpu.memory_space<vmem>> -> memref<1x80x32xf32, #tpu.memory_space<vmem>>
      %dma_wait3A_137 = tpu.memref_squeeze %dma_wait3A_136 : memref<1x80x32xf32, #tpu.memory_space<vmem>> -> memref<80x32xf32, #tpu.memory_space<vmem>>
      %dma_wait3A_138 = arith.constant 0 : i32
      %dma_wait3A_139 = arith.constant 0 : i32
      %dma_wait3A_140 = tpu.memref_slice %arg2[%dma_wait3A_138, %dma_wait3A_139] : memref<102400x32xf32, #tpu.memory_space<hbm>> -> memref<80x32xf32, #tpu.memory_space<hbm>>
      %dma_wait3A_141 = arith.constant 0 : i32
      %dma_wait3A_142 = arith.constant 0 : i32
      %dma_wait3A_143 = tpu.memref_slice %arg10[%dma_wait3A_133, %dma_wait3A_141, %dma_wait3A_142] : memref<5x80x32xf32, #tpu.memory_space<vmem>> -> memref<1x80x32xf32, #tpu.memory_space<vmem>>
      %dma_wait3A_144 = tpu.memref_squeeze %dma_wait3A_143 : memref<1x80x32xf32, #tpu.memory_space<vmem>> -> memref<80x32xf32, #tpu.memory_space<vmem>>
      %dma_wait3A_145 = arith.constant 0 : i32
      %dma_wait3A_146 = arith.constant 0 : i32
      %dma_wait3A_147 = tpu.memref_slice %arg2[%dma_wait3A_145, %dma_wait3A_146] : memref<102400x32xf32, #tpu.memory_space<hbm>> -> memref<80x32xf32, #tpu.memory_space<hbm>>
      tpu.wait_dma2 semaphore(%arg13 : memref<!tpu.dma_semaphore, #tpu.memory_space<semaphore_mem>>) src(%dma_wait3A_147 : memref<80x32xf32, #tpu.memory_space<hbm>>) dst(%dma_wait3A_144 : memref<80x32xf32, #tpu.memory_space<vmem>>)
      %run_scoped3A_148 = arith.constant 2 : i32
      %run_scoped3A_149 = arith.constant 22 : i32
      "tpu.region"() ({
        %run_scoped3A_185 = tpu.sem_alloc : memref<!tpu.dma_semaphore, #tpu.memory_space<semaphore_mem>>
        %dma_start3A_186 = arith.constant 0 : i32
        %dma_start3A_187 = arith.constant 0 : i32
        %dma_start3A_188 = tpu.memref_slice %arg10[%run_scoped3A_148, %dma_start3A_186, %dma_start3A_187] : memref<5x80x32xf32, #tpu.memory_space<vmem>> -> memref<1x80x32xf32, #tpu.memory_space<vmem>>
        %dma_start3A_189 = tpu.memref_squeeze %dma_start3A_188 : memref<1x80x32xf32, #tpu.memory_space<vmem>> -> memref<80x32xf32, #tpu.memory_space<vmem>>
        %dma_start3A_190 = arith.constant 0 : i32
        %dma_start3A_191 = tpu.memref_slice %arg9[%run_scoped3A_149, %dma_start3A_190] : memref<25x80xi32, #tpu.memory_space<vmem>> -> memref<1x80xi32, #tpu.memory_space<vmem>>
        %dma_start3A_192 = tpu.memref_squeeze %dma_start3A_191 : memref<1x80xi32, #tpu.memory_space<vmem>> -> memref<80xi32, #tpu.memory_space<vmem>>
        %dma_start3A_193 = arith.constant 0 : i32
        %dma_start3A_194 = arith.constant 0 : i32
        %dma_start3A_195 = tpu.memref_slice %arg6[%dma_start3A_193, %dma_start3A_194] : memref<51200x32xf32, #tpu.memory_space<vmem_shared>> -> memref<51200x32xf32, #tpu.memory_space<vmem_shared>>
        tpu.enqueue_indirect_dma source(%dma_start3A_189 : memref<80x32xf32, #tpu.memory_space<vmem>>) target(%dma_start3A_195 : memref<51200x32xf32, #tpu.memory_space<vmem_shared>>) offsets(%dma_start3A_192 : memref<80xi32, #tpu.memory_space<vmem>>) semaphore(%run_scoped3A_185 : memref<!tpu.dma_semaphore, #tpu.memory_space<semaphore_mem>>) {add = true}
        %dma_wait3A_196 = arith.constant 0 : i32
        %dma_wait3A_197 = arith.constant 0 : i32
        %dma_wait3A_198 = tpu.memref_slice %arg10[%run_scoped3A_148, %dma_wait3A_196, %dma_wait3A_197] : memref<5x80x32xf32, #tpu.memory_space<vmem>> -> memref<1x80x32xf32, #tpu.memory_space<vmem>>
        %dma_wait3A_199 = tpu.memref_squeeze %dma_wait3A_198 : memref<1x80x32xf32, #tpu.memory_space<vmem>> -> memref<80x32xf32, #tpu.memory_space<vmem>>
        %dma_wait3A_200 = arith.constant 0 : i32
        %dma_wait3A_201 = tpu.memref_slice %arg9[%run_scoped3A_149, %dma_wait3A_200] : memref<25x80xi32, #tpu.memory_space<vmem>> -> memref<1x80xi32, #tpu.memory_space<vmem>>
        %dma_wait3A_202 = tpu.memref_squeeze %dma_wait3A_201 : memref<1x80xi32, #tpu.memory_space<vmem>> -> memref<80xi32, #tpu.memory_space<vmem>>
        %dma_wait3A_203 = arith.constant 0 : i32
        %dma_wait3A_204 = arith.constant 0 : i32
        %dma_wait3A_205 = tpu.memref_slice %arg6[%dma_wait3A_203, %dma_wait3A_204] : memref<51200x32xf32, #tpu.memory_space<vmem_shared>> -> memref<51200x32xf32, #tpu.memory_space<vmem_shared>>
        tpu.wait_indirect_dma semaphore(%run_scoped3A_185 : memref<!tpu.dma_semaphore, #tpu.memory_space<semaphore_mem>>) src(%dma_wait3A_199 : memref<80x32xf32, #tpu.memory_space<vmem>>) dst(%dma_wait3A_205 : memref<51200x32xf32, #tpu.memory_space<vmem_shared>>)
        tpu.yield
      }) : () -> ()
      %dma_wait3A_150 = arith.constant 3 : i32
      %dma_wait3A_151 = arith.constant 0 : i32
      %dma_wait3A_152 = arith.constant 0 : i32
      %dma_wait3A_153 = tpu.memref_slice %arg10[%dma_wait3A_150, %dma_wait3A_151, %dma_wait3A_152] : memref<5x80x32xf32, #tpu.memory_space<vmem>> -> memref<1x80x32xf32, #tpu.memory_space<vmem>>
      %dma_wait3A_154 = tpu.memref_squeeze %dma_wait3A_153 : memref<1x80x32xf32, #tpu.memory_space<vmem>> -> memref<80x32xf32, #tpu.memory_space<vmem>>
      %dma_wait3A_155 = arith.constant 0 : i32
      %dma_wait3A_156 = arith.constant 0 : i32
      %dma_wait3A_157 = tpu.memref_slice %arg2[%dma_wait3A_155, %dma_wait3A_156] : memref<102400x32xf32, #tpu.memory_space<hbm>> -> memref<80x32xf32, #tpu.memory_space<hbm>>
      %dma_wait3A_158 = arith.constant 0 : i32
      %dma_wait3A_159 = arith.constant 0 : i32
      %dma_wait3A_160 = tpu.memref_slice %arg10[%dma_wait3A_150, %dma_wait3A_158, %dma_wait3A_159] : memref<5x80x32xf32, #tpu.memory_space<vmem>> -> memref<1x80x32xf32, #tpu.memory_space<vmem>>
      %dma_wait3A_161 = tpu.memref_squeeze %dma_wait3A_160 : memref<1x80x32xf32, #tpu.memory_space<vmem>> -> memref<80x32xf32, #tpu.memory_space<vmem>>
      %dma_wait3A_162 = arith.constant 0 : i32
      %dma_wait3A_163 = arith.constant 0 : i32
      %dma_wait3A_164 = tpu.memref_slice %arg2[%dma_wait3A_162, %dma_wait3A_163] : memref<102400x32xf32, #tpu.memory_space<hbm>> -> memref<80x32xf32, #tpu.memory_space<hbm>>
      tpu.wait_dma2 semaphore(%arg14 : memref<!tpu.dma_semaphore, #tpu.memory_space<semaphore_mem>>) src(%dma_wait3A_164 : memref<80x32xf32, #tpu.memory_space<hbm>>) dst(%dma_wait3A_161 : memref<80x32xf32, #tpu.memory_space<vmem>>)
      %run_scoped3A_165 = arith.constant 3 : i32
      %run_scoped3A_166 = arith.constant 23 : i32
      "tpu.region"() ({
        %run_scoped3A_185 = tpu.sem_alloc : memref<!tpu.dma_semaphore, #tpu.memory_space<semaphore_mem>>
        %dma_start3A_186 = arith.constant 0 : i32
        %dma_start3A_187 = arith.constant 0 : i32
        %dma_start3A_188 = tpu.memref_slice %arg10[%run_scoped3A_165, %dma_start3A_186, %dma_start3A_187] : memref<5x80x32xf32, #tpu.memory_space<vmem>> -> memref<1x80x32xf32, #tpu.memory_space<vmem>>
        %dma_start3A_189 = tpu.memref_squeeze %dma_start3A_188 : memref<1x80x32xf32, #tpu.memory_space<vmem>> -> memref<80x32xf32, #tpu.memory_space<vmem>>
        %dma_start3A_190 = arith.constant 0 : i32
        %dma_start3A_191 = tpu.memref_slice %arg9[%run_scoped3A_166, %dma_start3A_190] : memref<25x80xi32, #tpu.memory_space<vmem>> -> memref<1x80xi32, #tpu.memory_space<vmem>>
        %dma_start3A_192 = tpu.memref_squeeze %dma_start3A_191 : memref<1x80xi32, #tpu.memory_space<vmem>> -> memref<80xi32, #tpu.memory_space<vmem>>
        %dma_start3A_193 = arith.constant 0 : i32
        %dma_start3A_194 = arith.constant 0 : i32
        %dma_start3A_195 = tpu.memref_slice %arg6[%dma_start3A_193, %dma_start3A_194] : memref<51200x32xf32, #tpu.memory_space<vmem_shared>> -> memref<51200x32xf32, #tpu.memory_space<vmem_shared>>
        tpu.enqueue_indirect_dma source(%dma_start3A_189 : memref<80x32xf32, #tpu.memory_space<vmem>>) target(%dma_start3A_195 : memref<51200x32xf32, #tpu.memory_space<vmem_shared>>) offsets(%dma_start3A_192 : memref<80xi32, #tpu.memory_space<vmem>>) semaphore(%run_scoped3A_185 : memref<!tpu.dma_semaphore, #tpu.memory_space<semaphore_mem>>) {add = true}
        %dma_wait3A_196 = arith.constant 0 : i32
        %dma_wait3A_197 = arith.constant 0 : i32
        %dma_wait3A_198 = tpu.memref_slice %arg10[%run_scoped3A_165, %dma_wait3A_196, %dma_wait3A_197] : memref<5x80x32xf32, #tpu.memory_space<vmem>> -> memref<1x80x32xf32, #tpu.memory_space<vmem>>
        %dma_wait3A_199 = tpu.memref_squeeze %dma_wait3A_198 : memref<1x80x32xf32, #tpu.memory_space<vmem>> -> memref<80x32xf32, #tpu.memory_space<vmem>>
        %dma_wait3A_200 = arith.constant 0 : i32
        %dma_wait3A_201 = tpu.memref_slice %arg9[%run_scoped3A_166, %dma_wait3A_200] : memref<25x80xi32, #tpu.memory_space<vmem>> -> memref<1x80xi32, #tpu.memory_space<vmem>>
        %dma_wait3A_202 = tpu.memref_squeeze %dma_wait3A_201 : memref<1x80xi32, #tpu.memory_space<vmem>> -> memref<80xi32, #tpu.memory_space<vmem>>
        %dma_wait3A_203 = arith.constant 0 : i32
        %dma_wait3A_204 = arith.constant 0 : i32
        %dma_wait3A_205 = tpu.memref_slice %arg6[%dma_wait3A_203, %dma_wait3A_204] : memref<51200x32xf32, #tpu.memory_space<vmem_shared>> -> memref<51200x32xf32, #tpu.memory_space<vmem_shared>>
        tpu.wait_indirect_dma semaphore(%run_scoped3A_185 : memref<!tpu.dma_semaphore, #tpu.memory_space<semaphore_mem>>) src(%dma_wait3A_199 : memref<80x32xf32, #tpu.memory_space<vmem>>) dst(%dma_wait3A_205 : memref<51200x32xf32, #tpu.memory_space<vmem_shared>>)
        tpu.yield
      }) : () -> ()
      %dma_wait3A_167 = arith.constant 4 : i32
      %dma_wait3A_168 = arith.constant 0 : i32
      %dma_wait3A_169 = arith.constant 0 : i32
      %dma_wait3A_170 = tpu.memref_slice %arg10[%dma_wait3A_167, %dma_wait3A_168, %dma_wait3A_169] : memref<5x80x32xf32, #tpu.memory_space<vmem>> -> memref<1x80x32xf32, #tpu.memory_space<vmem>>
      %dma_wait3A_171 = tpu.memref_squeeze %dma_wait3A_170 : memref<1x80x32xf32, #tpu.memory_space<vmem>> -> memref<80x32xf32, #tpu.memory_space<vmem>>
      %dma_wait3A_172 = arith.constant 0 : i32
      %dma_wait3A_173 = arith.constant 0 : i32
      %dma_wait3A_174 = tpu.memref_slice %arg2[%dma_wait3A_172, %dma_wait3A_173] : memref<102400x32xf32, #tpu.memory_space<hbm>> -> memref<80x32xf32, #tpu.memory_space<hbm>>
      %dma_wait3A_175 = arith.constant 0 : i32
      %dma_wait3A_176 = arith.constant 0 : i32
      %dma_wait3A_177 = tpu.memref_slice %arg10[%dma_wait3A_167, %dma_wait3A_175, %dma_wait3A_176] : memref<5x80x32xf32, #tpu.memory_space<vmem>> -> memref<1x80x32xf32, #tpu.memory_space<vmem>>
      %dma_wait3A_178 = tpu.memref_squeeze %dma_wait3A_177 : memref<1x80x32xf32, #tpu.memory_space<vmem>> -> memref<80x32xf32, #tpu.memory_space<vmem>>
      %dma_wait3A_179 = arith.constant 0 : i32
      %dma_wait3A_180 = arith.constant 0 : i32
      %dma_wait3A_181 = tpu.memref_slice %arg2[%dma_wait3A_179, %dma_wait3A_180] : memref<102400x32xf32, #tpu.memory_space<hbm>> -> memref<80x32xf32, #tpu.memory_space<hbm>>
      tpu.wait_dma2 semaphore(%arg15 : memref<!tpu.dma_semaphore, #tpu.memory_space<semaphore_mem>>) src(%dma_wait3A_181 : memref<80x32xf32, #tpu.memory_space<hbm>>) dst(%dma_wait3A_178 : memref<80x32xf32, #tpu.memory_space<vmem>>)
      %run_scoped3A_182 = arith.constant 4 : i32
      %run_scoped3A_183 = arith.constant 24 : i32
      "tpu.region"() ({
        %run_scoped3A_185 = tpu.sem_alloc : memref<!tpu.dma_semaphore, #tpu.memory_space<semaphore_mem>>
        %dma_start3A_186 = arith.constant 0 : i32
        %dma_start3A_187 = arith.constant 0 : i32
        %dma_start3A_188 = tpu.memref_slice %arg10[%run_scoped3A_182, %dma_start3A_186, %dma_start3A_187] : memref<5x80x32xf32, #tpu.memory_space<vmem>> -> memref<1x80x32xf32, #tpu.memory_space<vmem>>
        %dma_start3A_189 = tpu.memref_squeeze %dma_start3A_188 : memref<1x80x32xf32, #tpu.memory_space<vmem>> -> memref<80x32xf32, #tpu.memory_space<vmem>>
        %dma_start3A_190 = arith.constant 0 : i32
        %dma_start3A_191 = tpu.memref_slice %arg9[%run_scoped3A_183, %dma_start3A_190] : memref<25x80xi32, #tpu.memory_space<vmem>> -> memref<1x80xi32, #tpu.memory_space<vmem>>
        %dma_start3A_192 = tpu.memref_squeeze %dma_start3A_191 : memref<1x80xi32, #tpu.memory_space<vmem>> -> memref<80xi32, #tpu.memory_space<vmem>>
        %dma_start3A_193 = arith.constant 0 : i32
        %dma_start3A_194 = arith.constant 0 : i32
        %dma_start3A_195 = tpu.memref_slice %arg6[%dma_start3A_193, %dma_start3A_194] : memref<51200x32xf32, #tpu.memory_space<vmem_shared>> -> memref<51200x32xf32, #tpu.memory_space<vmem_shared>>
        tpu.enqueue_indirect_dma source(%dma_start3A_189 : memref<80x32xf32, #tpu.memory_space<vmem>>) target(%dma_start3A_195 : memref<51200x32xf32, #tpu.memory_space<vmem_shared>>) offsets(%dma_start3A_192 : memref<80xi32, #tpu.memory_space<vmem>>) semaphore(%run_scoped3A_185 : memref<!tpu.dma_semaphore, #tpu.memory_space<semaphore_mem>>) {add = true}
        %dma_wait3A_196 = arith.constant 0 : i32
        %dma_wait3A_197 = arith.constant 0 : i32
        %dma_wait3A_198 = tpu.memref_slice %arg10[%run_scoped3A_182, %dma_wait3A_196, %dma_wait3A_197] : memref<5x80x32xf32, #tpu.memory_space<vmem>> -> memref<1x80x32xf32, #tpu.memory_space<vmem>>
        %dma_wait3A_199 = tpu.memref_squeeze %dma_wait3A_198 : memref<1x80x32xf32, #tpu.memory_space<vmem>> -> memref<80x32xf32, #tpu.memory_space<vmem>>
        %dma_wait3A_200 = arith.constant 0 : i32
        %dma_wait3A_201 = tpu.memref_slice %arg9[%run_scoped3A_183, %dma_wait3A_200] : memref<25x80xi32, #tpu.memory_space<vmem>> -> memref<1x80xi32, #tpu.memory_space<vmem>>
        %dma_wait3A_202 = tpu.memref_squeeze %dma_wait3A_201 : memref<1x80xi32, #tpu.memory_space<vmem>> -> memref<80xi32, #tpu.memory_space<vmem>>
        %dma_wait3A_203 = arith.constant 0 : i32
        %dma_wait3A_204 = arith.constant 0 : i32
        %dma_wait3A_205 = tpu.memref_slice %arg6[%dma_wait3A_203, %dma_wait3A_204] : memref<51200x32xf32, #tpu.memory_space<vmem_shared>> -> memref<51200x32xf32, #tpu.memory_space<vmem_shared>>
        tpu.wait_indirect_dma semaphore(%run_scoped3A_185 : memref<!tpu.dma_semaphore, #tpu.memory_space<semaphore_mem>>) src(%dma_wait3A_199 : memref<80x32xf32, #tpu.memory_space<vmem>>) dst(%dma_wait3A_205 : memref<51200x32xf32, #tpu.memory_space<vmem_shared>>)
        tpu.yield
      }) : () -> ()
      %scan3A_184 = arith.constant 0 : i32
      scf.yield %scan3A_184 : i32
    }
    %scan3A_22 = arith.constant 25 : i32
    %barrier3A_23 = arith.constant 0 : index
    tpu.barrier barrier_id(%barrier3A_23)
    %mul3A_24 = arith.constant 3200 : i32
    %mul3A_25 = arith.muli %arg1, %mul3A_24 : i32
    %mul3A_26 = arith.constant 3200 : i32
    %mul3A_27 = arith.muli %arg1, %mul3A_26 : i32
    %add3A = arith.addi %mul3A_15, %mul3A_27 : i32
    "tpu.region"() ({
      %run_scoped3A = tpu.sem_alloc : memref<!tpu.dma_semaphore, #tpu.memory_space<semaphore_mem>>
      %dma_start3A = arith.constant 0 : i32
      %dma_start3A_28 = tpu.memref_slice %arg5[%add3A, %dma_start3A] : memref<102400x32xf32, #tpu.memory_space<hbm>> -> memref<3200x32xf32, #tpu.memory_space<hbm>>
      %dma_start3A_29 = arith.constant 0 : i32
      %dma_start3A_30 = tpu.memref_slice %arg6[%mul3A_25, %dma_start3A_29] : memref<51200x32xf32, #tpu.memory_space<vmem_shared>> -> memref<3200x32xf32, #tpu.memory_space<vmem_shared>>
      tpu.enqueue_dma source(%dma_start3A_30 : memref<3200x32xf32, #tpu.memory_space<vmem_shared>>) target(%dma_start3A_28 : memref<3200x32xf32, #tpu.memory_space<hbm>>) target_semaphore(%run_scoped3A : memref<!tpu.dma_semaphore, #tpu.memory_space<semaphore_mem>>)
      %dma_wait3A = arith.constant 0 : i32
      %dma_wait3A_31 = tpu.memref_slice %arg5[%add3A, %dma_wait3A] : memref<102400x32xf32, #tpu.memory_space<hbm>> -> memref<3200x32xf32, #tpu.memory_space<hbm>>
      %dma_wait3A_32 = arith.constant 0 : i32
      %dma_wait3A_33 = tpu.memref_slice %arg6[%mul3A_25, %dma_wait3A_32] : memref<51200x32xf32, #tpu.memory_space<vmem_shared>> -> memref<3200x32xf32, #tpu.memory_space<vmem_shared>>
      tpu.wait_dma2 semaphore(%run_scoped3A : memref<!tpu.dma_semaphore, #tpu.memory_space<semaphore_mem>>) src(%dma_wait3A_33 : memref<3200x32xf32, #tpu.memory_space<vmem_shared>>) dst(%dma_wait3A_31 : memref<3200x32xf32, #tpu.memory_space<hbm>>)
      tpu.yield
    }) : () -> ()
    return
  }
}

</mosaic_0001>

<sc_bundles>
// kernel: _sc_hop.3.cloned.1.call-start
scs
__scs_entry_jumppad:
0x0: {  	(pc) =	sbr.rel $0x88, $3  }
0x1: {  	(tag) =	ssettag $0x0;
	lr =	simm.s32 $0x1  }
0x2: {  	[smem:$0x3F9E] =	sst lr;
	_ =	strace $0xD0000000  }
0x3: {  	_ = 	snop  }
0x4: {  	_ = 	snop  }
0x5: {  	_ = 	snop  }
0x6: {  	_ = 	snop  }
0x7: {  	_ = 	snop  }
__scs_overlays_trampoline_lowered:
0x8: {  	[smem:$0x3FAD] =	sst s0  }
0x9: {  	[smem:$0x3FAE] =	sst s1  }
0xa: {  	[smem:$0x3FAF] =	sst s2  }
0xb: {  	[smem:$0x3FB0] =	sst s3  }
0xc: {  	[smem:$0x3FB1] =	sst s4  }
0xd: {  	[smem:$0x3FB2] =	sst s5  }
0xe: {  	[smem:$0x3FB3] =	sst s6  }
0xf: {  	[smem:$0x3FB4] =	sst s7  }
0x10: {  	[smem:$0x3FB5] =	sst s8  }
0x11: {  	[smem:$0x3FB6] =	sst s9;
	s0 =	simm.s32 @!p0 $0x0  }
0x12: {  	s1 =	sld [smem:$0x3F9C];
	s0 =	simm.s32 @p0 $0x1  }
0x13: {  	[smem:$0x3FB7] =	sst s0;
	s0 =	simm.s32 @!p1 $0x0  }
0x14: {  	s2 =	sld [smem:$0x3F9B];
	s0 =	simm.s32 @p1 $0x1  }
0x15: {  	[smem:$0x3FB8] =	sst s0;
	s0 =	simm.s32 @!p2 $0x0  }
0x16: {  	s3 =	sld [smem:$0x3FDB];
	s0 =	simm.s32 @p2 $0x1  }
0x17: {  	s4 =	simm.s32 $0x1BF5;
	[smem:$0x3FBA] =	sst s0  }
0x18: {  	s0 =	sld [smem:$0x3F9D];
	_ =	swait.ge [sflag:s4], $0x0  }
0x19: {  	s7 =	sld [smem:$0x3F9E]  }
0x1a: {  	s8 =	sadd.s32 $0xFFFFE003, lr  }
0x1b: {  	s9 =	sadd.s32 $0xFFFFFEF7, lr;
	s5 =	simm.s32 $0xFFFFFFFF;
	p2 =	slt.u32 s8, $0xFFFFF086  }
0x1c: {  	p1 =	slt.u32 s9, $0xF7A;
	s5 =	simm.s32 @!p2 $0x0  }
0x1d: {  	s5 =	simm.s32 @p1 $0x1;
	p0 =	seq.s32 s7, s2  }
0x1e: {  	s7 =	smul.u32 @!p0 $0xF7A, s2;
	p2 =	seq.s32 @!p0 s5, $0x0  }
0x1f: {  	s9 =	smul.u32 $0xF7A, s1;
	s8 =	simm.s32 @!p0 $0x1BF5;
	p2 =	por !p2, p0  }
0x20: {  	[sflag:s8] =	ssyncset.s32 @!p0 $0xFFFFF086;
	s6 =	sadd.s32 @!p0 s3, s7;
	s7 =	simm.s32 @!p0 $0x108  }
0x21: {  	s3 =	sadd.s32 s3, s9;
	s6 =	sadd.s32 @!p0 $0x88, s6;
	s7 =	simm.s32 @p2 $0x1082  }
0x22: {  	[simem:s7], [sflag:s8] =	dma.local @!p0 [hbm:s6], $0xF7A  }
0x23: {  	s9 =	sor.u32 $0xD0000000, s2;
	s6 =	simm.s32 $0x108;
	_ =	swait.ge @!p0 [sflag:s8], $0x0  }
0x24: {  	s3 =	sadd.s32 $0x88, s3;
	s6 =	simm.s32 @!p1 $0x1082;
	[sflag:s4] =	ssyncset.s32 $0xFFFFF086  }
0x25: {  	[simem:s6], [sflag:s4] =	dma.local [hbm:s3], $0xF7A  }
0x26: {  	[smem:$0x3F9E] =	sst s1;
	(tag) =	ssettag s2;
	_ =	strace s9  }
0x27: {  	s1 =	sld [smem:$0x3FAE]  }
0x28: {  	s2 =	sld [smem:$0x3FAF]  }
0x29: {  	s4 =	sld [smem:$0x3FB1]  }
0x2a: {  	p0 =	seq.s32 s5, $0x0;
	s5 =	sld [smem:$0x3FB2]  }
0x2b: {  	s6 =	sld [smem:$0x3FB3]  }
0x2c: {  	s7 =	sld [smem:$0x3FB4]  }
0x2d: {  	s3 =	simm.s32 $0x108;
	s8 =	sld [smem:$0x3FB5]  }
0x2e: {  	s3 =	simm.s32 @!p0 $0x1082;
	s9 =	sld [smem:$0x3FB6]  }
0x2f: {  	lr =	sadd.s32 s0, s3;
	s0 =	sld [smem:$0x3FAD]  }
0x30: {  	s3 =	sld [smem:$0x3FB0]  }
0x31: {  	[smem:$0x3FB9] =	sst s10  }
0x32: {  	s10 =	sld [smem:$0x3FB7];
	_ =	sdelay $0x3  }
0x33: {  	p0 =	seq.s32 s10, $0x1;
	s10 =	sld [smem:$0x3FB9];
	_ =	sdelay $0x3  }
0x34: {  	[smem:$0x3FB9] =	sst s10  }
0x35: {  	s10 =	sld [smem:$0x3FB8];
	_ =	sdelay $0x3  }
0x36: {  	p1 =	seq.s32 s10, $0x1;
	s10 =	sld [smem:$0x3FB9];
	_ =	sdelay $0x3  }
0x37: {  	[smem:$0x3FB9] =	sst s10  }
0x38: {  	s10 =	sld [smem:$0x3FBA]  }
0x39: {  	_ = 	snop;
	(pc) =	sbr.ind lr, $3  }
0x3a: {  	_ = 	snop  }
0x3b: {  	_ = 	snop  }
0x3c: {  	p2 =	seq.s32 s10, $0x1;
	s10 =	sld [smem:$0x3FB9]  }
0x3d: {  	_ =	shalt  }
0x3e: {  	_ =	shalt  }
0x3f: {  	_ =	shalt  }
0x40: {  	_ =	shalt  }
0x41: {  	_ =	shalt  }
0x42: {  	_ =	shalt  }
0x43: {  	_ =	shalt  }
0x44: {  	_ =	shalt  }
0x45: {  	_ =	shalt  }
0x46: {  	_ =	shalt  }
0x47: {  	_ =	shalt  }
0x48: {  	_ =	shalt  }
0x49: {  	_ =	shalt  }
0x4a: {  	_ =	shalt  }
0x4b: {  	_ =	shalt  }
0x4c: {  	_ =	shalt  }
0x4d: {  	_ =	shalt  }
0x4e: {  	_ =	shalt  }
0x4f: {  	_ =	shalt  }
0x50: {  	_ =	shalt  }
0x51: {  	_ =	shalt  }
0x52: {  	_ =	shalt  }
0x53: {  	_ =	shalt  }
0x54: {  	_ =	shalt  }
0x55: {  	_ =	shalt  }
0x56: {  	_ =	shalt  }
0x57: {  	_ =	shalt  }
0x58: {  	_ =	shalt  }
0x59: {  	_ =	shalt  }
0x5a: {  	_ =	shalt  }
0x5b: {  	_ =	shalt  }
0x5c: {  	_ =	shalt  }
0x5d: {  	_ =	shalt  }
0x5e: {  	_ =	shalt  }
0x5f: {  	_ =	shalt  }
0x60: {  	_ =	shalt  }
0x61: {  	_ =	shalt  }
0x62: {  	_ =	shalt  }
0x63: {  	_ =	shalt  }
0x64: {  	_ =	shalt  }
0x65: {  	_ =	shalt  }
0x66: {  	_ =	shalt  }
0x67: {  	_ =	shalt  }
0x68: {  	_ =	shalt  }
0x69: {  	_ =	shalt  }
0x6a: {  	_ =	shalt  }
0x6b: {  	_ =	shalt  }
0x6c: {  	_ =	shalt  }
0x6d: {  	_ =	shalt  }
0x6e: {  	_ =	shalt  }
0x6f: {  	_ =	shalt  }
0x70: {  	_ =	shalt  }
0x71: {  	_ =	shalt  }
0x72: {  	_ =	shalt  }
0x73: {  	_ =	shalt  }
0x74: {  	_ =	shalt  }
0x75: {  	_ =	shalt  }
0x76: {  	_ =	shalt  }
0x77: {  	_ =	shalt  }
0x78: {  	_ =	shalt  }
0x79: {  	_ =	shalt  }
0x7a: {  	_ =	shalt  }
0x7b: {  	_ =	shalt  }
0x7c: {  	_ =	shalt  }
0x7d: {  	_ =	shalt  }
0x7e: {  	_ =	shalt  }
0x7f: {  	_ =	shalt  }
0x80: {  	_ =	shalt  }
0x81: {  	_ =	shalt  }
0x82: {  	_ =	shalt  }
0x83: {  	_ =	shalt  }
0x84: {  	_ =	shalt  }
0x85: {  	_ =	shalt  }
0x86: {  	_ =	shalt  }
0x87: {  	_ =	shalt  }
.Lfunc_end0:
.L_simem_size_0:
called_computation_lowered:
.L_overlay_start_0:
0x88: {  	s2 =	sld [smem:$0x3FD9]  }
0x89: {  	s3 =	sld [smem:$0x3FFE];
	_ =	sdelay $0x1  }
0x8a: {  	s1 =	srdreg.scid  }
0x8b: {  	s0 =	sand.u32 $0x1, s1  }
0x8c: {  	s17 =	sshll.u32 s0, $0xA;
	s2 =	sadd.s32 s3, s2  }
0x8d: {  	s2 =	sadd.s32 s2, s17  }
0x8e: {  	[smem:$0x3FC5] =	sst s2  }
0x8f: {  	_ = 	snop  }
0x90: {  	s2 =	sld [smem:$0x3FC8]  }
0x91: {  	s18 =	sld [smem:$0x3FD0];
	(tm) =	ssettm $0x1  }
0x92: {  	s4 =	sld [smem:$0x3FFB];
	_ =	sdelay $0x3  }
0x93: {  	_ =	strace s4  }
0x94: {  	s4 =	sld [smem:$0x3FFC];
	_ =	sdelay $0x3  }
0x95: {  	_ =	strace s4  }
0x96: {  	s4 =	sld [smem:$0x3FFD];
	_ =	sdelay $0x3  }
0x97: {  	_ =	strace s4  }
0x98: {  	_ =	strace $0x8FFFFFFF  }
0x99: {  	s19 =	sld [smem:$0x3FDB];
	_ =	sdelay $0x1  }
0x9a: {  	s5 =	simm.s32 $_scs_section_size  }
0x9b: {  	s6 =	simm.s32 $_size__tile_overlayer_lowered;
	s7 =	simm.s32 $_tile_overlayer_lowered  }
0x9c: {  	s22 =	simm.s32 $0x1BFF;
	s21 =	sshll.u32 s7, $0x1;
	s4 =	sadd.s32 s5, s19  }
0x9d: {  	s8 =	simm.s32 $0x0;
	s20 =	sshll.u32 s6, $0x1;
	s6 =	sadd.s32 s21, s4  }
0x9e: {  	[timem:s8], [sflag:s22] =	dma.local [hbm:s6], s20  }
0x9f: {  	_ =	swait.ge [sflag:s22], s20  }
0xa0: {  	s5 =	ssub.s32 $0x0, s20;
	[sflag:s22] =	ssyncset.done $0x0  }
0xa1: {  	[sflag:s22] =	ssyncadd.s32 s5;
	_ =	sdelay $0x1  }
0xa2: {  	s23 =	simm.s32 $0x1B8B  }
0xa3: {  	_ =	swait.ge [sflag:s23], $0x1  }
0xa4: {  	[sflag:s23] =	ssyncset.done $0x0  }
0xa5: {  	s25 =	simm.s32 $0x1B8E;
	s24 =	sld [smem:$0x3FFE];
	[sflag:s23] =	ssyncadd.s32 $0xFFFFFFFF  }
0xa6: {  	s26 =	simm.s32 $execute0_lowered;
	[smem:$0x3FD2] =	sst s25  }
0xa7: {  	s6 =	sshll.u32 s26, $0x1;
	_ =	strace $0x80000046;
	[dreg:$0x1] =	wrdreg $0xFFFFFFFF  }
0xa8: {  	s28 =	simm.s32 $_size_execute0_lowered;
	s4 =	sadd.s32 s4, s6;
	[dreg:$0x0] =	wrdreg $0x0  }
0xa9: {  	s6 =	sshll.u32 s28, $0x1;
	[dreg:$0x2] =	wrdreg s4  }
0xaa: {  	[dreg:$0x3] =	wrdreg s6  }
0xab: {  	[dreg:$0x4] =	wrdreg $0xC0  }
0xac: {  	_ =	task [dreg:s8], $0x5FFFF  }
0xad: {  	[dreg:$0x1] =	wrdreg $0xFFFFFFFF  }
0xae: {  	[dreg:$0x0] =	wrdreg $0x60  }
0xaf: {  	[dreg:$0x2] =	wrdreg s18  }
0xb0: {  	[dreg:$0x3] =	wrdreg s2  }
0xb1: {  	[dreg:$0x4] =	wrdreg s24  }
0xb2: {  	[dreg:$0x5] =	wrdreg $0x0  }
0xb3: {  	[dreg:$0x6] =	wrdreg $0x9  }
0xb4: {  	_ =	task.clear_ibuf [dreg:s8], $0x7FFFF;
	_ =	strace $0x90000046  }
0xb5: {  	s29 =	simm.s32 $0x9;
	_ =	strace $0x80000048  }
0xb6: {  	_ =	swait.ge [sflag:s29], $0x1  }
0xb7: {  	[sflag:s29] =	ssyncadd.s32 $0xFFFFFFFF  }
0xb8: {  	_ =	strace $0x90000048  }
0xb9: {  	_ =	sfence  }
0xba: {  	s30 =	sld [smem:$0x0];
	_ =	sdelay $0x2  }
0xbb: {  	s31 =	sshll.u32 s1, $0xD;
	s1 =	sshrl.u32 s1, $0x2  }
0xbc: {  	s3 =	sand.u32 $0x4000, s31;
	s1 =	sadd.s32 s1, s30  }
0xbd: {  	s0 =	sor.u32 s3, s0;
	s1 =	sshll.u32 s1, $0x11  }
0xbe: {  	s0 =	sor.u32 s1, s0  }
0xbf: {  	s0 =	sadd.s32 $0x8F2B, s0  }
0xc0: {  	[sflag:s0] =	ssyncadd.remote.s32 $0x1  }
0xc1: {  	_ =	sfence.sel $0xFFFF  }
0xc2: {  	[dreg:$0x0] =	wrdreg $0xFFFFFFFF;
	(pc) =	sbr.abs _section_cstart, $3  }
0xc3: {  	[dreg:$0x1] =	wrdreg $0xFFFFFFFF  }
0xc4: {  	_ =	task.clear_ibuf [dreg:s8], $0x2FFFF;
	_ =	strace $0x9FFFFFFF  }
0xc5: {  	(tm) =	ssettm $0x7FFFFFFF  }
tec
execute0_lowered:
.L_overlay_start_1:
0x0: {  	(tag) =	ssettag $0x1  }
0x1: {  	s0 =	rddreg [dreg:$0x0]  }
0x2: {  	s1 =	rddreg [dreg:$0x2];
	s2 =	srdreg.scid  }
0x3: {  	s4 =	rddreg [dreg:$0x3];
	s7 =	stileid.u32  }
0x4: {  	s26 =	simm.s32 $0x0;
	s11 =	simm.s32 $0x19000;
	s12 =	simm.s32 $0x6  }
0x5: {  	s13 =	simm.s32 $0x1A000;
	s14 =	simm.s32 $0x1A7D0;
	s15 =	simm.s32 $0x50  }
0x6: {  	s16 =	simm.s32 $0x1AFA0;
	s18 =	simm.s32 $0x1B9A0;
	s20 =	simm.s32 $0x1C3A0  }
0x7: {  	s22 =	simm.s32 $0x1CDA0;
	s24 =	simm.s32 $0x1D7A0;
	s25 =	simm.s32 $0x1  }
0x8: {  	s28 =	simm.s32 $0x2;
	s31 =	simm.s32 $0x3;
	s3 =	smul.u32 $0xC80, s7  }
0x9: {  	s9 =	simm.s32 $0x4;
	s10 =	simm.s32 $0x1A780;
	s5 =	smul.u32 $0x186A, s7  }
0xa: {  	s17 =	simm.s32 $0x1AE60;
	s21 =	simm.s32 $0x1AF00;
	s6 =	smul.u32 $0x64000, s7  }
0xb: {  	s23 =	simm.s32 $0x1AF50;
	s2 =	sand.u32 $0x1, s2;
	s7 =	smul.u32 $0xC350, s7  }
0xc: {  	[smem:$0x7FF] =	sst s26;
	s19 =	smul.u32 $0xC800, s2;
	s2 =	ssub.s32 $0x2, s2  }
0xd: {  	_ =	strace $0x80000047;
	s5 =	sadd.s32 s5, s1;
	s29 =	sshrl.u32 s2, $0x1  }
0xe: {  	s6 =	sshrl.u32 s6, $0x2;
	s3 =	sadd.s32 s3, s19;
	s2 =	ssub.s32 s2, s29  }
0xf: {  	s6 =	sadd.s32 s6, s4;
	s8 =	sadd.s32 $0x600, s5;
	s3 =	sshll.u32 s3, $0x2  }
0x10: {  	s5 =	simm.s32 $0x1AE10;
	s30 =	smax.u32 s2, $0x1;
	s1 =	sadd.s32 s3, s1  }
0x11: {  	v0 =	vmov s19;
	s19 =	simm.s32 $0x1AEB0;
	[dreg:$0x7] =	wrdreg s30;
	s1 =	sadd.s32 $0x18E00, s1  }
0x12: {  	v1 =	vimm.f32 $0.0e+00;
	s3 =	simm.s32 $0x1ADC0;
	[dreg:$0x6] =	wrdreg s1;
	s1 =	simm.s32 $0x5  }
.LBB2_1:
0x13: {  	[dreg:$0x5] =	wrdreg s26;
	s2 =	simm.s32 $0x0  }
.LBB2_2:
0x14: {  	p0 =	sne.s32 s2, $0x3F80  }
.Ltmp0:
0x15: {  	_ = 	snop;
	(pc) =	sbr.rel @p0 .LBB2_2-.Ltmp0, $4  }
0x16: {  	_ = 	snop  }
0x17: {  	s26 =	sshra.s32 s2, $0x2  }
0x18: {  	[tilespmem:s26+$0x19000] =	vst v1  }
0x19: {  	s2 =	sadd.s32 $0x80, s2;
	[tilespmem:s26+$0x19010] =	vst v1  }
0x1a: {  	s2 =	sadd.s32 $0x0, s6  }
0x1b: {  	[spmem:s2] =	stream.linear.scatter [tilespmem:s11], [sflag:$0x6], $0x1000, $0x38;
	[tilespmem:$0x1E1A0] =	vst v63  }
0x1c: {  	s26 =	simm.s32 $0x4000;
	_ =	swait.ge [sflag:s12], $0x1000  }
.LBB2_4:
0x1d: {  	s2 =	sshra.s32 s26, $0x2;
	[sflag:s12] =	ssyncset.done $0x0;
	p0 =	sne.s32 s26, $0x60000  }
.Ltmp1:
0x1e: {  	s2 =	sadd.s32 s2, s6;
	[sflag:s12] =	ssyncadd.s32 $0xFFFFF000;
	(pc) =	sbr.rel @p0 .LBB2_4-.Ltmp1, $3  }
0x1f: {  	[spmem:s2] =	stream.linear.scatter [tilespmem:s11], [sflag:$0x6], $0x1000, $0x38;
	[tilespmem:$0x1E1A0] =	vst v63  }
0x20: {  	s26 =	sadd.s32 $0x4000, s26;
	_ =	sdelay $0x1  }
0x21: {  	_ =	swait.ge [sflag:s12], $0x1000  }
0x22: {  	[sflag:s12] =	ssyncset.done $0x0  }
0x23: {  	[sflag:s12] =	ssyncadd.s32 $0xFFFFF000  }
0x24: {  	s26 =	simm.s32 $0x0;
	s29 =	simm.s32 $0x0;
	[bflag:$0x0] =	sbarrier.arrive $0xFFFF  }
.LBB2_6:
0x25: {  	s2 =	smul.u32 $0x7D0, s29;
	_ =	sdelay $0x1  }
0x26: {  	s2 =	sadd.s32 s7, s2  }
0x27: {  	s30 =	rddreg [dreg:$0x1];
	s2 =	sshrl.u32 s2, $0x3  }
0x28: {  	s2 =	sadd.s32 s30, s2  }
0x29: {  	[tilespmem:s13], [sflag:$0x6] =	stream.linear.gather [hbm4b:s2+s26], $0x7D0, $0x38;
	[tilespmem:$0x1E1A0] =	vst v63  }
0x2a: {  	s2 =	smul.u32 $0xFA, s29;
	_ =	swait.ge [sflag:s12], $0x7D0  }
0x2b: {  	[sflag:s12] =	ssyncset.done $0x0  }
0x2c: {  	s2 =	sadd.s32 s8, s2;
	[sflag:s12] =	ssyncadd.s32 $0xFFFFF830  }
0x2d: {  	[tilespmem:s14], [sflag:$0x6] =	stream.linear.gather [hbm4b:s2+s26], $0x7D0, $0x38;
	[tilespmem:$0x1E1A0] =	vst v63  }
0x2e: {  	_ =	swait.ge [sflag:s12], $0x7D0  }
0x2f: {  	[sflag:s12] =	ssyncset.done $0x0  }
0x30: {  	s30 =	simm.s32 $0x0;
	s2 =	simm.s32 $0x40;
	[sflag:s12] =	ssyncadd.s32 $0xFFFFF830  }
.LBB2_7:
0x31: {  	p0 =	sne.s32 s2, $0x1F00;
	v2 =	vld [tilespmem:s30+$0x1A000];
	_ =	sdelay $0x1  }
.Ltmp2:
0x32: {  	(pc) =	sbr.rel @p0 .LBB2_7-.Ltmp2, $3  }
0x33: {  	_ =	sdelay $0x1  }
0x34: {  	v2 =	vadd.s32 v0, v2  }
0x35: {  	[tilespmem:s30+$0x1A000] =	vst v2;
	s30 =	sshra.s32 s2, $0x2;
	s2 =	sadd.s32 $0x40, s2  }
0x36: {  	v2 =	vld [tilespmem:s30+$0x1A000];
	_ =	sdelay $0x4  }
0x37: {  	v2 =	vadd.s32 v0, v2  }
0x38: {  	[tilespmem:s30+$0x1A000] =	vst v2  }
0x39: {  	[tilespmem:s16], [sflag:$0x1] =	stream.indirect.gather [hbm4b:s0+s15], $0x20, s13, s15, $0xb8;
	[tilespmem:$0x1E1A0] =	vst v63  }
0x3a: {  	s2 =	simm.s32 $0x1A050  }
0x3b: {  	[tilespmem:s18], [sflag:$0x2] =	stream.indirect.gather [hbm4b:s0+s15], $0x20, s2, s15, $0xb8;
	[tilespmem:$0x1E1A0] =	vst v63  }
0x3c: {  	s30 =	simm.s32 $0x1A0A0  }
0x3d: {  	[tilespmem:s20], [sflag:$0x3] =	stream.indirect.gather [hbm4b:s0+s15], $0x20, s30, s15, $0xb8;
	[tilespmem:$0x1E1A0] =	vst v63  }
0x3e: {  	s30 =	simm.s32 $0x1A0F0  }
0x3f: {  	[tilespmem:s22], [sflag:$0x4] =	stream.indirect.gather [hbm4b:s0+s15], $0x20, s30, s15, $0xb8;
	[tilespmem:$0x1E1A0] =	vst v63  }
0x40: {  	s30 =	simm.s32 $0x1A140  }
0x41: {  	[tilespmem:s24], [sflag:$0x5] =	stream.indirect.gather [hbm4b:s0+s15], $0x20, s30, s15, $0xb8;
	[tilespmem:$0x1E1A0] =	vst v63  }
0x42: {  	_ =	swait.ge [sflag:s25], $0xA00  }
0x43: {  	[sflag:s25] =	ssyncset.done $0x0  }
0x44: {  	[sflag:s25] =	ssyncadd.s32 $0xFFFFF600  }
0x45: {  	[spmem:s4] =	stream.indirect.scatter.add.f32 [tilespmem:s16], [sflag:$0x6], $0x20, s14, s15, $0xb8;
	[tilespmem:$0x1E1A0] =	vst v63  }
0x46: {  	_ =	swait.ge [sflag:s12], $0xA00  }
0x47: {  	[sflag:s12] =	ssyncset.done $0x0  }
0x48: {  	s30 =	simm.s32 $0x1A190;
	[sflag:s12] =	ssyncadd.s32 $0xFFFFF600  }
0x49: {  	[tilespmem:s16], [sflag:$0x1] =	stream.indirect.gather [hbm4b:s0+s15], $0x20, s30, s15, $0xb8;
	[tilespmem:$0x1E1A0] =	vst v63  }
0x4a: {  	_ =	swait.ge [sflag:s28], $0xA00  }
0x4b: {  	[sflag:s28] =	ssyncset.done $0x0  }
0x4c: {  	s30 =	simm.s32 $0x1A820;
	[sflag:s28] =	ssyncadd.s32 $0xFFFFF600  }
0x4d: {  	[spmem:s4] =	stream.indirect.scatter.add.f32 [tilespmem:s18], [sflag:$0x6], $0x20, s30, s15, $0xb8;
	[tilespmem:$0x1E1A0] =	vst v63  }
0x4e: {  	_ =	swait.ge [sflag:s12], $0xA00  }
0x4f: {  	[sflag:s12] =	ssyncset.done $0x0  }
0x50: {  	s30 =	simm.s32 $0x1A1E0;
	[sflag:s12] =	ssyncadd.s32 $0xFFFFF600  }
0x51: {  	[tilespmem:s18], [sflag:$0x2] =	stream.indirect.gather [hbm4b:s0+s15], $0x20, s30, s15, $0xb8;
	[tilespmem:$0x1E1A0] =	vst v63  }
0x52: {  	_ =	swait.ge [sflag:s31], $0xA00  }
0x53: {  	[sflag:s31] =	ssyncset.done $0x0  }
0x54: {  	s30 =	simm.s32 $0x1A870;
	[sflag:s31] =	ssyncadd.s32 $0xFFFFF600  }
0x55: {  	[spmem:s4] =	stream.indirect.scatter.add.f32 [tilespmem:s20], [sflag:$0x6], $0x20, s30, s15, $0xb8;
	[tilespmem:$0x1E1A0] =	vst v63  }
0x56: {  	_ =	swait.ge [sflag:s12], $0xA00  }
0x57: {  	[sflag:s12] =	ssyncset.done $0x0  }
0x58: {  	s30 =	simm.s32 $0x1A230;
	[sflag:s12] =	ssyncadd.s32 $0xFFFFF600  }
0x59: {  	[tilespmem:s20], [sflag:$0x3] =	stream.indirect.gather [hbm4b:s0+s15], $0x20, s30, s15, $0xb8;
	[tilespmem:$0x1E1A0] =	vst v63  }
0x5a: {  	_ =	swait.ge [sflag:s9], $0xA00  }
0x5b: {  	[sflag:s9] =	ssyncset.done $0x0  }
0x5c: {  	s30 =	simm.s32 $0x1A8C0;
	[sflag:s9] =	ssyncadd.s32 $0xFFFFF600  }
0x5d: {  	[spmem:s4] =	stream.indirect.scatter.add.f32 [tilespmem:s22], [sflag:$0x6], $0x20, s30, s15, $0xb8;
	[tilespmem:$0x1E1A0] =	vst v63  }
0x5e: {  	_ =	swait.ge [sflag:s12], $0xA00  }
0x5f: {  	[sflag:s12] =	ssyncset.done $0x0  }
0x60: {  	s30 =	simm.s32 $0x1A280;
	[sflag:s12] =	ssyncadd.s32 $0xFFFFF600  }
0x61: {  	[tilespmem:s22], [sflag:$0x4] =	stream.indirect.gather [hbm4b:s0+s15], $0x20, s30, s15, $0xb8;
	[tilespmem:$0x1E1A0] =	vst v63  }
0x62: {  	_ =	swait.ge [sflag:s1], $0xA00  }
0x63: {  	[sflag:s1] =	ssyncset.done $0x0  }
0x64: {  	s30 =	simm.s32 $0x1A910;
	[sflag:s1] =	ssyncadd.s32 $0xFFFFF600  }
0x65: {  	[spmem:s4] =	stream.indirect.scatter.add.f32 [tilespmem:s24], [sflag:$0x6], $0x20, s30, s15, $0xb8;
	[tilespmem:$0x1E1A0] =	vst v63  }
0x66: {  	_ =	swait.ge [sflag:s12], $0xA00  }
0x67: {  	[sflag:s12] =	ssyncset.done $0x0  }
0x68: {  	s30 =	simm.s32 $0x1A2D0;
	[sflag:s12] =	ssyncadd.s32 $0xFFFFF600  }
0x69: {  	[tilespmem:s24], [sflag:$0x5] =	stream.indirect.gather [hbm4b:s0+s15], $0x20, s30, s15, $0xb8;
	[tilespmem:$0x1E1A0] =	vst v63  }
0x6a: {  	_ =	swait.ge [sflag:s25], $0xA00  }
0x6b: {  	[sflag:s25] =	ssyncset.done $0x0  }
0x6c: {  	s30 =	simm.s32 $0x1A960;
	[sflag:s25] =	ssyncadd.s32 $0xFFFFF600  }
0x6d: {  	[spmem:s4] =	stream.indirect.scatter.add.f32 [tilespmem:s16], [sflag:$0x6], $0x20, s30, s15, $0xb8;
	[tilespmem:$0x1E1A0] =	vst v63  }
0x6e: {  	_ =	swait.ge [sflag:s12], $0xA00  }
0x6f: {  	[sflag:s12] =	ssyncset.done $0x0  }
0x70: {  	s30 =	simm.s32 $0x1A320;
	[sflag:s12] =	ssyncadd.s32 $0xFFFFF600  }
0x71: {  	[tilespmem:s16], [sflag:$0x1] =	stream.indirect.gather [hbm4b:s0+s15], $0x20, s30, s15, $0xb8;
	[tilespmem:$0x1E1A0] =	vst v63  }
0x72: {  	_ =	swait.ge [sflag:s28], $0xA00  }
0x73: {  	[sflag:s28] =	ssyncset.done $0x0  }
0x74: {  	s30 =	simm.s32 $0x1A9B0;
	[sflag:s28] =	ssyncadd.s32 $0xFFFFF600  }
0x75: {  	[spmem:s4] =	stream.indirect.scatter.add.f32 [tilespmem:s18], [sflag:$0x6], $0x20, s30, s15, $0xb8;
	[tilespmem:$0x1E1A0] =	vst v63  }
0x76: {  	_ =	swait.ge [sflag:s12], $0xA00  }
0x77: {  	[sflag:s12] =	ssyncset.done $0x0  }
0x78: {  	s30 =	simm.s32 $0x1A370;
	[sflag:s12] =	ssyncadd.s32 $0xFFFFF600  }
0x79: {  	[tilespmem:s18], [sflag:$0x2] =	stream.indirect.gather [hbm4b:s0+s15], $0x20, s30, s15, $0xb8;
	[tilespmem:$0x1E1A0] =	vst v63  }
0x7a: {  	_ =	swait.ge [sflag:s31], $0xA00  }
0x7b: {  	[sflag:s31] =	ssyncset.done $0x0  }
0x7c: {  	s30 =	simm.s32 $0x1AA00;
	[sflag:s31] =	ssyncadd.s32 $0xFFFFF600  }
0x7d: {  	[spmem:s4] =	stream.indirect.scatter.add.f32 [tilespmem:s20], [sflag:$0x6], $0x20, s30, s15, $0xb8;
	[tilespmem:$0x1E1A0] =	vst v63  }
0x7e: {  	_ =	swait.ge [sflag:s12], $0xA00  }
0x7f: {  	[sflag:s12] =	ssyncset.done $0x0  }
0x80: {  	s30 =	simm.s32 $0x1A3C0;
	[sflag:s12] =	ssyncadd.s32 $0xFFFFF600  }
0x81: {  	[tilespmem:s20], [sflag:$0x3] =	stream.indirect.gather [hbm4b:s0+s15], $0x20, s30, s15, $0xb8;
	[tilespmem:$0x1E1A0] =	vst v63  }
0x82: {  	_ =	swait.ge [sflag:s9], $0xA00  }
0x83: {  	[sflag:s9] =	ssyncset.done $0x0  }
0x84: {  	s30 =	simm.s32 $0x1AA50;
	[sflag:s9] =	ssyncadd.s32 $0xFFFFF600  }
0x85: {  	[spmem:s4] =	stream.indirect.scatter.add.f32 [tilespmem:s22], [sflag:$0x6], $0x20, s30, s15, $0xb8;
	[tilespmem:$0x1E1A0] =	vst v63  }
0x86: {  	_ =	swait.ge [sflag:s12], $0xA00  }
0x87: {  	[sflag:s12] =	ssyncset.done $0x0  }
0x88: {  	s30 =	simm.s32 $0x1A410;
	[sflag:s12] =	ssyncadd.s32 $0xFFFFF600  }
0x89: {  	[tilespmem:s22], [sflag:$0x4] =	stream.indirect.gather [hbm4b:s0+s15], $0x20, s30, s15, $0xb8;
	[tilespmem:$0x1E1A0] =	vst v63  }
0x8a: {  	_ =	swait.ge [sflag:s1], $0xA00  }
0x8b: {  	[sflag:s1] =	ssyncset.done $0x0  }
0x8c: {  	s30 =	simm.s32 $0x1AAA0;
	[sflag:s1] =	ssyncadd.s32 $0xFFFFF600  }
0x8d: {  	[spmem:s4] =	stream.indirect.scatter.add.f32 [tilespmem:s24], [sflag:$0x6], $0x20, s30, s15, $0xb8;
	[tilespmem:$0x1E1A0] =	vst v63  }
0x8e: {  	_ =	swait.ge [sflag:s12], $0xA00  }
0x8f: {  	[sflag:s12] =	ssyncset.done $0x0  }
0x90: {  	s30 =	simm.s32 $0x1A460;
	[sflag:s12] =	ssyncadd.s32 $0xFFFFF600  }
0x91: {  	[tilespmem:s24], [sflag:$0x5] =	stream.indirect.gather [hbm4b:s0+s15], $0x20, s30, s15, $0xb8;
	[tilespmem:$0x1E1A0] =	vst v63  }
0x92: {  	_ =	swait.ge [sflag:s25], $0xA00  }
0x93: {  	[sflag:s25] =	ssyncset.done $0x0  }
0x94: {  	s30 =	simm.s32 $0x1AAF0;
	[sflag:s25] =	ssyncadd.s32 $0xFFFFF600  }
0x95: {  	[spmem:s4] =	stream.indirect.scatter.add.f32 [tilespmem:s16], [sflag:$0x6], $0x20, s30, s15, $0xb8;
	[tilespmem:$0x1E1A0] =	vst v63  }
0x96: {  	_ =	swait.ge [sflag:s12], $0xA00  }
0x97: {  	[sflag:s12] =	ssyncset.done $0x0  }
0x98: {  	s30 =	simm.s32 $0x1A4B0;
	[sflag:s12] =	ssyncadd.s32 $0xFFFFF600  }
0x99: {  	[tilespmem:s16], [sflag:$0x1] =	stream.indirect.gather [hbm4b:s0+s15], $0x20, s30, s15, $0xb8;
	[tilespmem:$0x1E1A0] =	vst v63  }
0x9a: {  	_ =	swait.ge [sflag:s28], $0xA00  }
0x9b: {  	[sflag:s28] =	ssyncset.done $0x0  }
0x9c: {  	s30 =	simm.s32 $0x1AB40;
	[sflag:s28] =	ssyncadd.s32 $0xFFFFF600  }
0x9d: {  	[spmem:s4] =	stream.indirect.scatter.add.f32 [tilespmem:s18], [sflag:$0x6], $0x20, s30, s15, $0xb8;
	[tilespmem:$0x1E1A0] =	vst v63  }
0x9e: {  	_ =	swait.ge [sflag:s12], $0xA00  }
0x9f: {  	[sflag:s12] =	ssyncset.done $0x0  }
0xa0: {  	s30 =	simm.s32 $0x1A500;
	[sflag:s12] =	ssyncadd.s32 $0xFFFFF600  }
0xa1: {  	[tilespmem:s18], [sflag:$0x2] =	stream.indirect.gather [hbm4b:s0+s15], $0x20, s30, s15, $0xb8;
	[tilespmem:$0x1E1A0] =	vst v63  }
0xa2: {  	_ =	swait.ge [sflag:s31], $0xA00  }
0xa3: {  	[sflag:s31] =	ssyncset.done $0x0  }
0xa4: {  	s30 =	simm.s32 $0x1AB90;
	[sflag:s31] =	ssyncadd.s32 $0xFFFFF600  }
0xa5: {  	[spmem:s4] =	stream.indirect.scatter.add.f32 [tilespmem:s20], [sflag:$0x6], $0x20, s30, s15, $0xb8;
	[tilespmem:$0x1E1A0] =	vst v63  }
0xa6: {  	_ =	swait.ge [sflag:s12], $0xA00  }
0xa7: {  	[sflag:s12] =	ssyncset.done $0x0  }
0xa8: {  	s30 =	simm.s32 $0x1A550;
	[sflag:s12] =	ssyncadd.s32 $0xFFFFF600  }
0xa9: {  	[tilespmem:s20], [sflag:$0x3] =	stream.indirect.gather [hbm4b:s0+s15], $0x20, s30, s15, $0xb8;
	[tilespmem:$0x1E1A0] =	vst v63  }
0xaa: {  	_ =	swait.ge [sflag:s9], $0xA00  }
0xab: {  	[sflag:s9] =	ssyncset.done $0x0  }
0xac: {  	s30 =	simm.s32 $0x1ABE0;
	[sflag:s9] =	ssyncadd.s32 $0xFFFFF600  }
0xad: {  	[spmem:s4] =	stream.indirect.scatter.add.f32 [tilespmem:s22], [sflag:$0x6], $0x20, s30, s15, $0xb8;
	[tilespmem:$0x1E1A0] =	vst v63  }
0xae: {  	_ =	swait.ge [sflag:s12], $0xA00  }
0xaf: {  	[sflag:s12] =	ssyncset.done $0x0  }
0xb0: {  	s30 =	simm.s32 $0x1A5A0;
	[sflag:s12] =	ssyncadd.s32 $0xFFFFF600  }
0xb1: {  	[tilespmem:s22], [sflag:$0x4] =	stream.indirect.gather [hbm4b:s0+s15], $0x20, s30, s15, $0xb8;
	[tilespmem:$0x1E1A0] =	vst v63  }
0xb2: {  	_ =	swait.ge [sflag:s1], $0xA00  }
0xb3: {  	[sflag:s1] =	ssyncset.done $0x0  }
0xb4: {  	s30 =	simm.s32 $0x1AC30;
	[sflag:s1] =	ssyncadd.s32 $0xFFFFF600  }
0xb5: {  	[spmem:s4] =	stream.indirect.scatter.add.f32 [tilespmem:s24], [sflag:$0x6], $0x20, s30, s15, $0xb8;
	[tilespmem:$0x1E1A0] =	vst v63  }
0xb6: {  	_ =	swait.ge [sflag:s12], $0xA00  }
0xb7: {  	[sflag:s12] =	ssyncset.done $0x0  }
0xb8: {  	s30 =	simm.s32 $0x1A5F0;
	[sflag:s12] =	ssyncadd.s32 $0xFFFFF600  }
0xb9: {  	[tilespmem:s24], [sflag:$0x5] =	stream.indirect.gather [hbm4b:s0+s15], $0x20, s30, s15, $0xb8;
	[tilespmem:$0x1E1A0] =	vst v63  }
0xba: {  	_ =	swait.ge [sflag:s25], $0xA00  }
0xbb: {  	[sflag:s25] =	ssyncset.done $0x0  }
0xbc: {  	s30 =	simm.s32 $0x1AC80;
	[sflag:s25] =	ssyncadd.s32 $0xFFFFF600  }
0xbd: {  	[spmem:s4] =	stream.indirect.scatter.add.f32 [tilespmem:s16], [sflag:$0x6], $0x20, s30, s15, $0xb8;
	[tilespmem:$0x1E1A0] =	vst v63  }
0xbe: {  	_ =	swait.ge [sflag:s12], $0xA00  }
0xbf: {  	[sflag:s12] =	ssyncset.done $0x0  }
0xc0: {  	s30 =	simm.s32 $0x1A640;
	[sflag:s12] =	ssyncadd.s32 $0xFFFFF600  }
0xc1: {  	[tilespmem:s16], [sflag:$0x1] =	stream.indirect.gather [hbm4b:s0+s15], $0x20, s30, s15, $0xb8;
	[tilespmem:$0x1E1A0] =	vst v63  }
0xc2: {  	_ =	swait.ge [sflag:s28], $0xA00  }
0xc3: {  	[sflag:s28] =	ssyncset.done $0x0  }
0xc4: {  	s30 =	simm.s32 $0x1ACD0;
	[sflag:s28] =	ssyncadd.s32 $0xFFFFF600  }
0xc5: {  	[spmem:s4] =	stream.indirect.scatter.add.f32 [tilespmem:s18], [sflag:$0x6], $0x20, s30, s15, $0xb8;
	[tilespmem:$0x1E1A0] =	vst v63  }
0xc6: {  	_ =	swait.ge [sflag:s12], $0xA00  }
0xc7: {  	[sflag:s12] =	ssyncset.done $0x0  }
0xc8: {  	s30 =	simm.s32 $0x1A690;
	[sflag:s12] =	ssyncadd.s32 $0xFFFFF600  }
0xc9: {  	[tilespmem:s18], [sflag:$0x2] =	stream.indirect.gather [hbm4b:s0+s15], $0x20, s30, s15, $0xb8;
	[tilespmem:$0x1E1A0] =	vst v63  }
0xca: {  	_ =	swait.ge [sflag:s31], $0xA00  }
0xcb: {  	[sflag:s31] =	ssyncset.done $0x0  }
0xcc: {  	s30 =	simm.s32 $0x1AD20;
	[sflag:s31] =	ssyncadd.s32 $0xFFFFF600  }
0xcd: {  	[spmem:s4] =	stream.indirect.scatter.add.f32 [tilespmem:s20], [sflag:$0x6], $0x20, s30, s15, $0xb8;
	[tilespmem:$0x1E1A0] =	vst v63  }
0xce: {  	_ =	swait.ge [sflag:s12], $0xA00  }
0xcf: {  	[sflag:s12] =	ssyncset.done $0x0  }
0xd0: {  	s30 =	simm.s32 $0x1A6E0;
	[sflag:s12] =	ssyncadd.s32 $0xFFFFF600  }
0xd1: {  	[tilespmem:s20], [sflag:$0x3] =	stream.indirect.gather [hbm4b:s0+s15], $0x20, s30, s15, $0xb8;
	[tilespmem:$0x1E1A0] =	vst v63  }
0xd2: {  	_ =	swait.ge [sflag:s9], $0xA00  }
0xd3: {  	[sflag:s9] =	ssyncset.done $0x0  }
0xd4: {  	s30 =	simm.s32 $0x1AD70;
	[sflag:s9] =	ssyncadd.s32 $0xFFFFF600  }
0xd5: {  	[spmem:s4] =	stream.indirect.scatter.add.f32 [tilespmem:s22], [sflag:$0x6], $0x20, s30, s15, $0xb8;
	[tilespmem:$0x1E1A0] =	vst v63  }
0xd6: {  	_ =	swait.ge [sflag:s12], $0xA00  }
0xd7: {  	[sflag:s12] =	ssyncset.done $0x0  }
0xd8: {  	s30 =	simm.s32 $0x1A730;
	[sflag:s12] =	ssyncadd.s32 $0xFFFFF600  }
0xd9: {  	[tilespmem:s22], [sflag:$0x4] =	stream.indirect.gather [hbm4b:s0+s15], $0x20, s30, s15, $0xb8;
	[tilespmem:$0x1E1A0] =	vst v63  }
0xda: {  	_ =	swait.ge [sflag:s1], $0xA00  }
0xdb: {  	[sflag:s1] =	ssyncset.done $0x0  }
0xdc: {  	[sflag:s1] =	ssyncadd.s32 $0xFFFFF600  }
0xdd: {  	[spmem:s4] =	stream.indirect.scatter.add.f32 [tilespmem:s24], [sflag:$0x6], $0x20, s3, s15, $0xb8;
	[tilespmem:$0x1E1A0] =	vst v63  }
0xde: {  	_ =	swait.ge [sflag:s12], $0xA00  }
0xdf: {  	[sflag:s12] =	ssyncset.done $0x0  }
0xe0: {  	[sflag:s12] =	ssyncadd.s32 $0xFFFFF600  }
0xe1: {  	[tilespmem:s24], [sflag:$0x5] =	stream.indirect.gather [hbm4b:s0+s15], $0x20, s10, s15, $0xb8;
	[tilespmem:$0x1E1A0] =	vst v63  }
0xe2: {  	_ =	swait.ge [sflag:s25], $0xA00  }
0xe3: {  	[sflag:s25] =	ssyncset.done $0x0  }
0xe4: {  	[sflag:s25] =	ssyncadd.s32 $0xFFFFF600  }
0xe5: {  	[spmem:s4] =	stream.indirect.scatter.add.f32 [tilespmem:s16], [sflag:$0x6], $0x20, s5, s15, $0xb8;
	[tilespmem:$0x1E1A0] =	vst v63  }
0xe6: {  	_ =	swait.ge [sflag:s12], $0xA00  }
0xe7: {  	[sflag:s12] =	ssyncset.done $0x0  }
0xe8: {  	[sflag:s12] =	ssyncadd.s32 $0xFFFFF600  }
0xe9: {  	_ =	swait.ge [sflag:s28], $0xA00  }
0xea: {  	[sflag:s28] =	ssyncset.done $0x0  }
0xeb: {  	[sflag:s28] =	ssyncadd.s32 $0xFFFFF600  }
0xec: {  	[spmem:s4] =	stream.indirect.scatter.add.f32 [tilespmem:s18], [sflag:$0x6], $0x20, s17, s15, $0xb8;
	[tilespmem:$0x1E1A0] =	vst v63  }
0xed: {  	_ =	swait.ge [sflag:s12], $0xA00  }
0xee: {  	[sflag:s12] =	ssyncset.done $0x0  }
0xef: {  	[sflag:s12] =	ssyncadd.s32 $0xFFFFF600  }
0xf0: {  	_ =	swait.ge [sflag:s31], $0xA00  }
0xf1: {  	[sflag:s31] =	ssyncset.done $0x0  }
0xf2: {  	[sflag:s31] =	ssyncadd.s32 $0xFFFFF600  }
0xf3: {  	[spmem:s4] =	stream.indirect.scatter.add.f32 [tilespmem:s20], [sflag:$0x6], $0x20, s19, s15, $0xb8;
	[tilespmem:$0x1E1A0] =	vst v63  }
0xf4: {  	_ =	swait.ge [sflag:s12], $0xA00  }
0xf5: {  	[sflag:s12] =	ssyncset.done $0x0  }
0xf6: {  	[sflag:s12] =	ssyncadd.s32 $0xFFFFF600  }
0xf7: {  	_ =	swait.ge [sflag:s9], $0xA00  }
0xf8: {  	[sflag:s9] =	ssyncset.done $0x0  }
0xf9: {  	[sflag:s9] =	ssyncadd.s32 $0xFFFFF600  }
0xfa: {  	[spmem:s4] =	stream.indirect.scatter.add.f32 [tilespmem:s22], [sflag:$0x6], $0x20, s21, s15, $0xb8;
	[tilespmem:$0x1E1A0] =	vst v63  }
0xfb: {  	_ =	swait.ge [sflag:s12], $0xA00  }
0xfc: {  	[sflag:s12] =	ssyncset.done $0x0  }
0xfd: {  	[sflag:s12] =	ssyncadd.s32 $0xFFFFF600  }
0xfe: {  	s29 =	sadd.s32 $0x1, s29;
	_ =	swait.ge [sflag:s1], $0xA00  }
0xff: {  	p0 =	sne.s32 s29, $0x19;
	[sflag:s1] =	ssyncset.done $0x0  }
.Ltmp3:
0x100: {  	[sflag:s1] =	ssyncadd.s32 $0xFFFFF600;
	(pc) =	sbr.rel @p0 .LBB2_6-.Ltmp3, $4  }
0x101: {  	[spmem:s4] =	stream.indirect.scatter.add.f32 [tilespmem:s24], [sflag:$0x6], $0x20, s23, s15, $0xb8;
	[tilespmem:$0x1E1A0] =	vst v63  }
0x102: {  	_ =	swait.ge [sflag:s12], $0xA00  }
0x103: {  	[sflag:s12] =	ssyncset.done $0x0  }
0x104: {  	[sflag:s12] =	ssyncadd.s32 $0xFFFFF600  }
0x105: {  	s2 =	stileid.u32  }
0x106: {  	[bflag:$0x0] =	sbarrier.arrive $0xFFFF;
	s2 =	sshll.u32 s2, $0x6  }
0x107: {  	s26 =	sshrl.u32 s6, $0x3;
	s29 =	rddreg [dreg:$0x6];
	s2 =	sor.u32 $0x1C06, s2  }
0x108: {  	[hbm:s29], [sflag:s2] =	dma.local [spmem:s26], $0x3200  }
0x109: {  	_ =	swait.ge [sflag:s12], $0x3200  }
0x10a: {  	s29 =	rddreg [dreg:$0x5]  }
0x10b: {  	s30 =	rddreg [dreg:$0x7];
	s26 =	sadd.s32 $0x1, s29  }
0x10c: {  	p0 =	sne.s32 s26, s30  }
.Ltmp4:
0x10d: {  	_ = 	snop;
	(pc) =	sbr.rel @p0 .LBB2_1-.Ltmp4, $3  }
0x10e: {  	_ =	sdelay $0x1  }
0x10f: {  	[sflag:s12] =	ssyncset.done $0x0  }
0x110: {  	[sflag:s12] =	ssyncadd.s32 $0xFFFFCE00  }
0x111: {  	_ =	sfence.sel $0x180000  }
0x112: {  	[bflag:$0x0] =	sbarrier.arrive $0xFFFF  }
0x113: {  	_ =	strace $0x90000047  }
0x114: {  	s0 =	stileid.u32;
	[bflag:$0x2] =	sbarrier.arrive $0xFFFF  }
0x115: {  	p0 =	sne.s32 s0, $0x0;
	s0 =	rddreg [dreg:$0x4]  }
0x116: {  	s0 =	sadd.s32 @!p0 $0x100000, s0  }
0x117: {  	[sflag:s0] =	ssyncadd.tile.s32 @!p0 $0x1;
	_ =	shalt  }
.Lfunc_end2:
_tile_overlayer_lowered:
.L_overlay_start_2:
0x118: {  	(tag) =	ssettag $0x2  }
0x119: {  	s0 =	rddreg [dreg:$0x0];
	s2 =	stileid.u32  }
0x11a: {  	s1 =	rddreg [dreg:$0x1];
	p0 =	sne.s32 s2, $0x0  }
0x11b: {  	s3 =	rddreg [dreg:$0x2];
	[bflag:$0x3] =	sbarrier.arrive $0xFFFF;
	s2 =	simm.s32 @!p0 $0x1C06  }
0x11c: {  	[timem:s3], [sflag:s2] =	dma.local @!p0 [hbm:s0], s1  }
0x11d: {  	s0 =	simm.s32 @!p0 $0x6  }
0x11e: {  	_ =	swait.ge @!p0 [sflag:s0], s1  }
0x11f: {  	s1 =	ssub.s32 @!p0 $0x0, s1;
	[sflag:s0] =	ssyncset.done @!p0 $0x0  }
0x120: {  	[sflag:s0] =	ssyncadd.s32 @!p0 s1  }
0x121: {  	[bflag:$0x3] =	sbarrier.arrive $0xFFFF  }
0x122: {  	_ =	shalt  }

</sc_bundles>
